<compile_context>
chip_gen: v7x
topology: tpu7x:2x2x1
jax: 0.10.2.dev20260603
libtpu: 0.0.44.dev20260713+nightly
codegen_flags: <defaults>
</compile_context>

<pallas_src>
import jax, jax.numpy as jnp
from jax import lax
from jax.experimental import pallas as pl
from jax.experimental.pallas import tpu as pltpu, tpu_sc as plsc

NC, NS = 2, 16
NW = NC * NS
DEPTH = 4


def body(ids_hbm, table_hbm, out_hbm, idx_all, tab_v, sem):
    wid = lax.axis_index("s") * NC + lax.axis_index("c")
    n = ids_hbm.shape[0]
    pw = n // NW
    base = wid * pw
    ngroups = pw // 16

    pltpu.sync_copy(ids_hbm.at[pl.ds(base, pw)], idx_all)
    pltpu.sync_copy(table_hbm, tab_v)

    def issue_group(g):
        ids_v = idx_all[pl.ds(g * 16, 16)]
        goff = base + g * 16
        for l in range(16):
            tid = ids_v[l]
            pltpu.async_copy(tab_v.at[pl.ds(tid, 1)],
                             out_hbm.at[pl.ds(goff + l, 1)], sem)

    def drain_group():
        pltpu.make_async_copy(tab_v.at[pl.ds(0, 16)],
                              out_hbm.at[pl.ds(0, 16)], sem).wait()

    @pl.loop(0, DEPTH)
    def _prime(g):
        issue_group(g)

    @pl.loop(DEPTH, ngroups)
    def _steady(g):
        drain_group()
        issue_group(g)

    @pl.loop(0, DEPTH)
    def _tail(g):
        drain_group()


def kernel(token_ids, table):
    b, s = token_ids.shape
    v, d = table.shape
    ids = token_ids.reshape(-1).astype(jnp.int32)
    n = ids.shape[0]
    mesh = plsc.VectorSubcoreMesh(core_axis_name="c", subcore_axis_name="s",
                                  num_cores=NC, num_subcores=NS)
    out = pl.kernel(
        body, out_type=jax.ShapeDtypeStruct((n, d), jnp.float32), mesh=mesh,
        compiler_params=pltpu.CompilerParams(needs_layout_passes=False),
        scratch_types=[
            pltpu.VMEM((n // NW,), jnp.int32),
            pltpu.VMEM((v, d), jnp.float32),
            pltpu.SemaphoreType.DMA,
        ],
    )(ids, table)
    return out.reshape(b, s, d)

# --- scband reference (transcript-rebuilt; emitter-appended) ---
"""Pipeline reference for scband-nonverbal-encoder-38062000177382 (READ-ONLY COPY).

The authoritative reference and input builder live on the scoring server;
editing this copy changes nothing except your own understanding.
"""

import jax, jax.numpy as jnp
import numpy as np

NUM_TOKENS = 24
EMBED_DIM = 512

def setup_inputs(seed: int = 0) -> dict:
    key = jax.random.key(seed)
    k1, k2 = jax.random.split(key)
    token_ids = jax.random.randint(k1, (1024, 200), 0, NUM_TOKENS, dtype=jnp.int64 if jax.config.jax_enable_x64 else jnp.int32)
    # learned parameter: embedding table, nn.Embedding default init ~ N(0, 1)
    table = jax.random.normal(k2, (NUM_TOKENS, EMBED_DIM), dtype=jnp.float32)
    return {"token_ids": token_ids, "table": table}

def reference(token_ids, table):
    # nn.Embedding forward: row gather from table by token_ids
    return jnp.take(table, token_ids, axis=0)

if __name__ == "__main__":
    import jax
    _d = setup_inputs()
    print(jax.jit(kernel)(*tuple(_d.values())))

</pallas_src>

<mosaic_0001>
#map = affine_map<(d0, d1) -> (0)>
#map1 = affine_map<(d0, d1) -> (0, 0)>
module attributes {stable_mosaic.version = 14 : i64} {
  func.func @body(%arg0: i32, %arg1: i32, %arg2: memref<204800xi32, #tpu.memory_space<hbm>>, %arg3: memref<24x512xf32, #tpu.memory_space<hbm>>, %arg4: memref<204800x512xf32, #tpu.memory_space<hbm>>, %arg5: memref<6400xi32, #tpu.memory_space<vmem>>, %arg6: memref<24x512xf32, #tpu.memory_space<vmem>>, %arg7: memref<!tpu.dma_semaphore, #tpu.memory_space<semaphore_mem>>) attributes {dimension_semantics = [#tpu.dimension_semantics<core_parallel>, #tpu.dimension_semantics<subcore_parallel>], iteration_bounds = array<i64: 2, 16>, scalar_prefetch = 0 : i64, scratch_operands = 3 : i64, tpu.core_type = #tpu.core_type<sc_vector_subcore>, window_params = [{transform_indices = #map}, {transform_indices = #map1}, {transform_indices = #map1}]} {
    %mul3A = arith.constant 2 : i32
    %mul3A_0 = arith.muli %arg1, %mul3A : i32
    %add3A = arith.addi %mul3A_0, %arg0 : i32
    %mul3A_1 = arith.constant 6400 : i32
    %mul3A_2 = arith.muli %add3A, %mul3A_1 : i32
    "tpu.region"() ({
      %run_scoped3A = tpu.sem_alloc : memref<!tpu.dma_semaphore, #tpu.memory_space<semaphore_mem>>
      %dma_start3A = tpu.memref_slice %arg2[%mul3A_2] : memref<204800xi32, #tpu.memory_space<hbm>> -> memref<6400xi32, #tpu.memory_space<hbm>>
      %dma_start3A_17 = tpu.memref_slice %arg2[%mul3A_2] : memref<204800xi32, #tpu.memory_space<hbm>> -> memref<6400xi32, #tpu.memory_space<hbm>>
      tpu.enqueue_dma source(%dma_start3A_17 : memref<6400xi32, #tpu.memory_space<hbm>>) target(%arg5 : memref<6400xi32, #tpu.memory_space<vmem>>) target_semaphore(%run_scoped3A : memref<!tpu.dma_semaphore, #tpu.memory_space<semaphore_mem>>)
      %dma_wait3A = tpu.memref_slice %arg2[%mul3A_2] : memref<204800xi32, #tpu.memory_space<hbm>> -> memref<6400xi32, #tpu.memory_space<hbm>>
      %dma_wait3A_18 = tpu.memref_slice %arg2[%mul3A_2] : memref<204800xi32, #tpu.memory_space<hbm>> -> memref<6400xi32, #tpu.memory_space<hbm>>
      tpu.wait_dma2 semaphore(%run_scoped3A : memref<!tpu.dma_semaphore, #tpu.memory_space<semaphore_mem>>) src(%dma_wait3A_18 : memref<6400xi32, #tpu.memory_space<hbm>>) dst(%arg5 : memref<6400xi32, #tpu.memory_space<vmem>>)
      tpu.yield
    }) : () -> ()
    "tpu.region"() ({
      %run_scoped3A = tpu.sem_alloc : memref<!tpu.dma_semaphore, #tpu.memory_space<semaphore_mem>>
      tpu.enqueue_dma source(%arg3 : memref<24x512xf32, #tpu.memory_space<hbm>>) target(%arg6 : memref<24x512xf32, #tpu.memory_space<vmem>>) target_semaphore(%run_scoped3A : memref<!tpu.dma_semaphore, #tpu.memory_space<semaphore_mem>>)
      tpu.wait_dma2 semaphore(%run_scoped3A : memref<!tpu.dma_semaphore, #tpu.memory_space<semaphore_mem>>) src(%arg3 : memref<24x512xf32, #tpu.memory_space<hbm>>) dst(%arg6 : memref<24x512xf32, #tpu.memory_space<vmem>>)
      tpu.yield
    }) : () -> ()
    %scan3A = arith.constant 0 : i32
    %scan3A_3 = arith.constant 4 : i32
    %scan3A_4 = arith.addi %scan3A, %scan3A_3 : i32
    %scan3A_5 = arith.constant 1 : i32
    scf.for %scan3A_17 = %scan3A to %scan3A_4 step %scan3A_5  : i32 {
      %mul3A_18 = arith.constant 1 : i32
      %mul3A_19 = arith.muli %scan3A_17, %mul3A_18 : i32
      %add3A_20 = arith.constant 0 : i32
      %add3A_21 = arith.addi %add3A_20, %mul3A_19 : i32
      %mul3A_22 = arith.constant 16 : i32
      %mul3A_23 = arith.muli %add3A_21, %mul3A_22 : i32
      %get3A = arith.index_cast %mul3A_23 : i32 to index
      %get3A_24 = tpu.vector_load %arg5[%get3A] {strides = array<i32>} : memref<6400xi32, #tpu.memory_space<vmem>>, vector<16xi32>,
      %mul3A_25 = arith.constant 16 : i32
      %mul3A_26 = arith.muli %add3A_21, %mul3A_25 : i32
      %add3A_27 = arith.addi %mul3A_2, %mul3A_26 : i32
      %slice3A = vector.extract_strided_slice %get3A_24 {offsets = [0], sizes = [1], strides = [1]} : vector<16xi32> to vector<1xi32>
      %squeeze3A = vector.extract %slice3A[0] : i32 from vector<1xi32>
      %add3A_28 = arith.constant 0 : i32
      %add3A_29 = arith.addi %add3A_27, %add3A_28 : i32
      %dma_start3A = arith.constant 0 : i32
      %dma_start3A_30 = tpu.memref_slice %arg6[%squeeze3A, %dma_start3A] : memref<24x512xf32, #tpu.memory_space<vmem>> -> memref<1x512xf32, #tpu.memory_space<vmem>>
      %dma_start3A_31 = arith.constant 0 : i32
      %dma_start3A_32 = tpu.memref_slice %arg4[%add3A_29, %dma_start3A_31] : memref<204800x512xf32, #tpu.memory_space<hbm>> -> memref<1x512xf32, #tpu.memory_space<hbm>>
      %dma_start3A_33 = arith.constant 0 : i32
      %dma_start3A_34 = tpu.memref_slice %arg4[%add3A_29, %dma_start3A_33] : memref<204800x512xf32, #tpu.memory_space<hbm>> -> memref<1x512xf32, #tpu.memory_space<hbm>>
      %dma_start3A_35 = arith.constant 0 : i32
      %dma_start3A_36 = tpu.memref_slice %arg6[%squeeze3A, %dma_start3A_35] : memref<24x512xf32, #tpu.memory_space<vmem>> -> memref<1x512xf32, #tpu.memory_space<vmem>>
      tpu.enqueue_dma source(%dma_start3A_36 : memref<1x512xf32, #tpu.memory_space<vmem>>) target(%dma_start3A_34 : memref<1x512xf32, #tpu.memory_space<hbm>>) target_semaphore(%arg7 : memref<!tpu.dma_semaphore, #tpu.memory_space<semaphore_mem>>)
      %slice3A_37 = vector.extract_strided_slice %get3A_24 {offsets = [1], sizes = [1], strides = [1]} : vector<16xi32> to vector<1xi32>
      %squeeze3A_38 = vector.extract %slice3A_37[0] : i32 from vector<1xi32>
      %add3A_39 = arith.constant 1 : i32
      %add3A_40 = arith.addi %add3A_27, %add3A_39 : i32
      %dma_start3A_41 = arith.constant 0 : i32
      %dma_start3A_42 = tpu.memref_slice %arg6[%squeeze3A_38, %dma_start3A_41] : memref<24x512xf32, #tpu.memory_space<vmem>> -> memref<1x512xf32, #tpu.memory_space<vmem>>
      %dma_start3A_43 = arith.constant 0 : i32
      %dma_start3A_44 = tpu.memref_slice %arg4[%add3A_40, %dma_start3A_43] : memref<204800x512xf32, #tpu.memory_space<hbm>> -> memref<1x512xf32, #tpu.memory_space<hbm>>
      %dma_start3A_45 = arith.constant 0 : i32
      %dma_start3A_46 = tpu.memref_slice %arg4[%add3A_40, %dma_start3A_45] : memref<204800x512xf32, #tpu.memory_space<hbm>> -> memref<1x512xf32, #tpu.memory_space<hbm>>
      %dma_start3A_47 = arith.constant 0 : i32
      %dma_start3A_48 = tpu.memref_slice %arg6[%squeeze3A_38, %dma_start3A_47] : memref<24x512xf32, #tpu.memory_space<vmem>> -> memref<1x512xf32, #tpu.memory_space<vmem>>
      tpu.enqueue_dma source(%dma_start3A_48 : memref<1x512xf32, #tpu.memory_space<vmem>>) target(%dma_start3A_46 : memref<1x512xf32, #tpu.memory_space<hbm>>) target_semaphore(%arg7 : memref<!tpu.dma_semaphore, #tpu.memory_space<semaphore_mem>>)
      %slice3A_49 = vector.extract_strided_slice %get3A_24 {offsets = [2], sizes = [1], strides = [1]} : vector<16xi32> to vector<1xi32>
      %squeeze3A_50 = vector.extract %slice3A_49[0] : i32 from vector<1xi32>
      %add3A_51 = arith.constant 2 : i32
      %add3A_52 = arith.addi %add3A_27, %add3A_51 : i32
      %dma_start3A_53 = arith.constant 0 : i32
      %dma_start3A_54 = tpu.memref_slice %arg6[%squeeze3A_50, %dma_start3A_53] : memref<24x512xf32, #tpu.memory_space<vmem>> -> memref<1x512xf32, #tpu.memory_space<vmem>>
      %dma_start3A_55 = arith.constant 0 : i32
      %dma_start3A_56 = tpu.memref_slice %arg4[%add3A_52, %dma_start3A_55] : memref<204800x512xf32, #tpu.memory_space<hbm>> -> memref<1x512xf32, #tpu.memory_space<hbm>>
      %dma_start3A_57 = arith.constant 0 : i32
      %dma_start3A_58 = tpu.memref_slice %arg4[%add3A_52, %dma_start3A_57] : memref<204800x512xf32, #tpu.memory_space<hbm>> -> memref<1x512xf32, #tpu.memory_space<hbm>>
      %dma_start3A_59 = arith.constant 0 : i32
      %dma_start3A_60 = tpu.memref_slice %arg6[%squeeze3A_50, %dma_start3A_59] : memref<24x512xf32, #tpu.memory_space<vmem>> -> memref<1x512xf32, #tpu.memory_space<vmem>>
      tpu.enqueue_dma source(%dma_start3A_60 : memref<1x512xf32, #tpu.memory_space<vmem>>) target(%dma_start3A_58 : memref<1x512xf32, #tpu.memory_space<hbm>>) target_semaphore(%arg7 : memref<!tpu.dma_semaphore, #tpu.memory_space<semaphore_mem>>)
      %slice3A_61 = vector.extract_strided_slice %get3A_24 {offsets = [3], sizes = [1], strides = [1]} : vector<16xi32> to vector<1xi32>
      %squeeze3A_62 = vector.extract %slice3A_61[0] : i32 from vector<1xi32>
      %add3A_63 = arith.constant 3 : i32
      %add3A_64 = arith.addi %add3A_27, %add3A_63 : i32
      %dma_start3A_65 = arith.constant 0 : i32
      %dma_start3A_66 = tpu.memref_slice %arg6[%squeeze3A_62, %dma_start3A_65] : memref<24x512xf32, #tpu.memory_space<vmem>> -> memref<1x512xf32, #tpu.memory_space<vmem>>
      %dma_start3A_67 = arith.constant 0 : i32
      %dma_start3A_68 = tpu.memref_slice %arg4[%add3A_64, %dma_start3A_67] : memref<204800x512xf32, #tpu.memory_space<hbm>> -> memref<1x512xf32, #tpu.memory_space<hbm>>
      %dma_start3A_69 = arith.constant 0 : i32
      %dma_start3A_70 = tpu.memref_slice %arg4[%add3A_64, %dma_start3A_69] : memref<204800x512xf32, #tpu.memory_space<hbm>> -> memref<1x512xf32, #tpu.memory_space<hbm>>
      %dma_start3A_71 = arith.constant 0 : i32
      %dma_start3A_72 = tpu.memref_slice %arg6[%squeeze3A_62, %dma_start3A_71] : memref<24x512xf32, #tpu.memory_space<vmem>> -> memref<1x512xf32, #tpu.memory_space<vmem>>
      tpu.enqueue_dma source(%dma_start3A_72 : memref<1x512xf32, #tpu.memory_space<vmem>>) target(%dma_start3A_70 : memref<1x512xf32, #tpu.memory_space<hbm>>) target_semaphore(%arg7 : memref<!tpu.dma_semaphore, #tpu.memory_space<semaphore_mem>>)
      %slice3A_73 = vector.extract_strided_slice %get3A_24 {offsets = [4], sizes = [1], strides = [1]} : vector<16xi32> to vector<1xi32>
      %squeeze3A_74 = vector.extract %slice3A_73[0] : i32 from vector<1xi32>
      %add3A_75 = arith.constant 4 : i32
      %add3A_76 = arith.addi %add3A_27, %add3A_75 : i32
      %dma_start3A_77 = arith.constant 0 : i32
      %dma_start3A_78 = tpu.memref_slice %arg6[%squeeze3A_74, %dma_start3A_77] : memref<24x512xf32, #tpu.memory_space<vmem>> -> memref<1x512xf32, #tpu.memory_space<vmem>>
      %dma_start3A_79 = arith.constant 0 : i32
      %dma_start3A_80 = tpu.memref_slice %arg4[%add3A_76, %dma_start3A_79] : memref<204800x512xf32, #tpu.memory_space<hbm>> -> memref<1x512xf32, #tpu.memory_space<hbm>>
      %dma_start3A_81 = arith.constant 0 : i32
      %dma_start3A_82 = tpu.memref_slice %arg4[%add3A_76, %dma_start3A_81] : memref<204800x512xf32, #tpu.memory_space<hbm>> -> memref<1x512xf32, #tpu.memory_space<hbm>>
      %dma_start3A_83 = arith.constant 0 : i32
      %dma_start3A_84 = tpu.memref_slice %arg6[%squeeze3A_74, %dma_start3A_83] : memref<24x512xf32, #tpu.memory_space<vmem>> -> memref<1x512xf32, #tpu.memory_space<vmem>>
      tpu.enqueue_dma source(%dma_start3A_84 : memref<1x512xf32, #tpu.memory_space<vmem>>) target(%dma_start3A_82 : memref<1x512xf32, #tpu.memory_space<hbm>>) target_semaphore(%arg7 : memref<!tpu.dma_semaphore, #tpu.memory_space<semaphore_mem>>)
      %slice3A_85 = vector.extract_strided_slice %get3A_24 {offsets = [5], sizes = [1], strides = [1]} : vector<16xi32> to vector<1xi32>
      %squeeze3A_86 = vector.extract %slice3A_85[0] : i32 from vector<1xi32>
      %add3A_87 = arith.constant 5 : i32
      %add3A_88 = arith.addi %add3A_27, %add3A_87 : i32
      %dma_start3A_89 = arith.constant 0 : i32
      %dma_start3A_90 = tpu.memref_slice %arg6[%squeeze3A_86, %dma_start3A_89] : memref<24x512xf32, #tpu.memory_space<vmem>> -> memref<1x512xf32, #tpu.memory_space<vmem>>
      %dma_start3A_91 = arith.constant 0 : i32
      %dma_start3A_92 = tpu.memref_slice %arg4[%add3A_88, %dma_start3A_91] : memref<204800x512xf32, #tpu.memory_space<hbm>> -> memref<1x512xf32, #tpu.memory_space<hbm>>
      %dma_start3A_93 = arith.constant 0 : i32
      %dma_start3A_94 = tpu.memref_slice %arg4[%add3A_88, %dma_start3A_93] : memref<204800x512xf32, #tpu.memory_space<hbm>> -> memref<1x512xf32, #tpu.memory_space<hbm>>
      %dma_start3A_95 = arith.constant 0 : i32
      %dma_start3A_96 = tpu.memref_slice %arg6[%squeeze3A_86, %dma_start3A_95] : memref<24x512xf32, #tpu.memory_space<vmem>> -> memref<1x512xf32, #tpu.memory_space<vmem>>
      tpu.enqueue_dma source(%dma_start3A_96 : memref<1x512xf32, #tpu.memory_space<vmem>>) target(%dma_start3A_94 : memref<1x512xf32, #tpu.memory_space<hbm>>) target_semaphore(%arg7 : memref<!tpu.dma_semaphore, #tpu.memory_space<semaphore_mem>>)
      %slice3A_97 = vector.extract_strided_slice %get3A_24 {offsets = [6], sizes = [1], strides = [1]} : vector<16xi32> to vector<1xi32>
      %squeeze3A_98 = vector.extract %slice3A_97[0] : i32 from vector<1xi32>
      %add3A_99 = arith.constant 6 : i32
      %add3A_100 = arith.addi %add3A_27, %add3A_99 : i32
      %dma_start3A_101 = arith.constant 0 : i32
      %dma_start3A_102 = tpu.memref_slice %arg6[%squeeze3A_98, %dma_start3A_101] : memref<24x512xf32, #tpu.memory_space<vmem>> -> memref<1x512xf32, #tpu.memory_space<vmem>>
      %dma_start3A_103 = arith.constant 0 : i32
      %dma_start3A_104 = tpu.memref_slice %arg4[%add3A_100, %dma_start3A_103] : memref<204800x512xf32, #tpu.memory_space<hbm>> -> memref<1x512xf32, #tpu.memory_space<hbm>>
      %dma_start3A_105 = arith.constant 0 : i32
      %dma_start3A_106 = tpu.memref_slice %arg4[%add3A_100, %dma_start3A_105] : memref<204800x512xf32, #tpu.memory_space<hbm>> -> memref<1x512xf32, #tpu.memory_space<hbm>>
      %dma_start3A_107 = arith.constant 0 : i32
      %dma_start3A_108 = tpu.memref_slice %arg6[%squeeze3A_98, %dma_start3A_107] : memref<24x512xf32, #tpu.memory_space<vmem>> -> memref<1x512xf32, #tpu.memory_space<vmem>>
      tpu.enqueue_dma source(%dma_start3A_108 : memref<1x512xf32, #tpu.memory_space<vmem>>) target(%dma_start3A_106 : memref<1x512xf32, #tpu.memory_space<hbm>>) target_semaphore(%arg7 : memref<!tpu.dma_semaphore, #tpu.memory_space<semaphore_mem>>)
      %slice3A_109 = vector.extract_strided_slice %get3A_24 {offsets = [7], sizes = [1], strides = [1]} : vector<16xi32> to vector<1xi32>
      %squeeze3A_110 = vector.extract %slice3A_109[0] : i32 from vector<1xi32>
      %add3A_111 = arith.constant 7 : i32
      %add3A_112 = arith.addi %add3A_27, %add3A_111 : i32
      %dma_start3A_113 = arith.constant 0 : i32
      %dma_start3A_114 = tpu.memref_slice %arg6[%squeeze3A_110, %dma_start3A_113] : memref<24x512xf32, #tpu.memory_space<vmem>> -> memref<1x512xf32, #tpu.memory_space<vmem>>
      %dma_start3A_115 = arith.constant 0 : i32
      %dma_start3A_116 = tpu.memref_slice %arg4[%add3A_112, %dma_start3A_115] : memref<204800x512xf32, #tpu.memory_space<hbm>> -> memref<1x512xf32, #tpu.memory_space<hbm>>
      %dma_start3A_117 = arith.constant 0 : i32
      %dma_start3A_118 = tpu.memref_slice %arg4[%add3A_112, %dma_start3A_117] : memref<204800x512xf32, #tpu.memory_space<hbm>> -> memref<1x512xf32, #tpu.memory_space<hbm>>
      %dma_start3A_119 = arith.constant 0 : i32
      %dma_start3A_120 = tpu.memref_slice %arg6[%squeeze3A_110, %dma_start3A_119] : memref<24x512xf32, #tpu.memory_space<vmem>> -> memref<1x512xf32, #tpu.memory_space<vmem>>
      tpu.enqueue_dma source(%dma_start3A_120 : memref<1x512xf32, #tpu.memory_space<vmem>>) target(%dma_start3A_118 : memref<1x512xf32, #tpu.memory_space<hbm>>) target_semaphore(%arg7 : memref<!tpu.dma_semaphore, #tpu.memory_space<semaphore_mem>>)
      %slice3A_121 = vector.extract_strided_slice %get3A_24 {offsets = [8], sizes = [1], strides = [1]} : vector<16xi32> to vector<1xi32>
      %squeeze3A_122 = vector.extract %slice3A_121[0] : i32 from vector<1xi32>
      %add3A_123 = arith.constant 8 : i32
      %add3A_124 = arith.addi %add3A_27, %add3A_123 : i32
      %dma_start3A_125 = arith.constant 0 : i32
      %dma_start3A_126 = tpu.memref_slice %arg6[%squeeze3A_122, %dma_start3A_125] : memref<24x512xf32, #tpu.memory_space<vmem>> -> memref<1x512xf32, #tpu.memory_space<vmem>>
      %dma_start3A_127 = arith.constant 0 : i32
      %dma_start3A_128 = tpu.memref_slice %arg4[%add3A_124, %dma_start3A_127] : memref<204800x512xf32, #tpu.memory_space<hbm>> -> memref<1x512xf32, #tpu.memory_space<hbm>>
      %dma_start3A_129 = arith.constant 0 : i32
      %dma_start3A_130 = tpu.memref_slice %arg4[%add3A_124, %dma_start3A_129] : memref<204800x512xf32, #tpu.memory_space<hbm>> -> memref<1x512xf32, #tpu.memory_space<hbm>>
      %dma_start3A_131 = arith.constant 0 : i32
      %dma_start3A_132 = tpu.memref_slice %arg6[%squeeze3A_122, %dma_start3A_131] : memref<24x512xf32, #tpu.memory_space<vmem>> -> memref<1x512xf32, #tpu.memory_space<vmem>>
      tpu.enqueue_dma source(%dma_start3A_132 : memref<1x512xf32, #tpu.memory_space<vmem>>) target(%dma_start3A_130 : memref<1x512xf32, #tpu.memory_space<hbm>>) target_semaphore(%arg7 : memref<!tpu.dma_semaphore, #tpu.memory_space<semaphore_mem>>)
      %slice3A_133 = vector.extract_strided_slice %get3A_24 {offsets = [9], sizes = [1], strides = [1]} : vector<16xi32> to vector<1xi32>
      %squeeze3A_134 = vector.extract %slice3A_133[0] : i32 from vector<1xi32>
      %add3A_135 = arith.constant 9 : i32
      %add3A_136 = arith.addi %add3A_27, %add3A_135 : i32
      %dma_start3A_137 = arith.constant 0 : i32
      %dma_start3A_138 = tpu.memref_slice %arg6[%squeeze3A_134, %dma_start3A_137] : memref<24x512xf32, #tpu.memory_space<vmem>> -> memref<1x512xf32, #tpu.memory_space<vmem>>
      %dma_start3A_139 = arith.constant 0 : i32
      %dma_start3A_140 = tpu.memref_slice %arg4[%add3A_136, %dma_start3A_139] : memref<204800x512xf32, #tpu.memory_space<hbm>> -> memref<1x512xf32, #tpu.memory_space<hbm>>
      %dma_start3A_141 = arith.constant 0 : i32
      %dma_start3A_142 = tpu.memref_slice %arg4[%add3A_136, %dma_start3A_141] : memref<204800x512xf32, #tpu.memory_space<hbm>> -> memref<1x512xf32, #tpu.memory_space<hbm>>
      %dma_start3A_143 = arith.constant 0 : i32
      %dma_start3A_144 = tpu.memref_slice %arg6[%squeeze3A_134, %dma_start3A_143] : memref<24x512xf32, #tpu.memory_space<vmem>> -> memref<1x512xf32, #tpu.memory_space<vmem>>
      tpu.enqueue_dma source(%dma_start3A_144 : memref<1x512xf32, #tpu.memory_space<vmem>>) target(%dma_start3A_142 : memref<1x512xf32, #tpu.memory_space<hbm>>) target_semaphore(%arg7 : memref<!tpu.dma_semaphore, #tpu.memory_space<semaphore_mem>>)
      %slice3A_145 = vector.extract_strided_slice %get3A_24 {offsets = [10], sizes = [1], strides = [1]} : vector<16xi32> to vector<1xi32>
      %squeeze3A_146 = vector.extract %slice3A_145[0] : i32 from vector<1xi32>
      %add3A_147 = arith.constant 10 : i32
      %add3A_148 = arith.addi %add3A_27, %add3A_147 : i32
      %dma_start3A_149 = arith.constant 0 : i32
      %dma_start3A_150 = tpu.memref_slice %arg6[%squeeze3A_146, %dma_start3A_149] : memref<24x512xf32, #tpu.memory_space<vmem>> -> memref<1x512xf32, #tpu.memory_space<vmem>>
      %dma_start3A_151 = arith.constant 0 : i32
      %dma_start3A_152 = tpu.memref_slice %arg4[%add3A_148, %dma_start3A_151] : memref<204800x512xf32, #tpu.memory_space<hbm>> -> memref<1x512xf32, #tpu.memory_space<hbm>>
      %dma_start3A_153 = arith.constant 0 : i32
      %dma_start3A_154 = tpu.memref_slice %arg4[%add3A_148, %dma_start3A_153] : memref<204800x512xf32, #tpu.memory_space<hbm>> -> memref<1x512xf32, #tpu.memory_space<hbm>>
      %dma_start3A_155 = arith.constant 0 : i32
      %dma_start3A_156 = tpu.memref_slice %arg6[%squeeze3A_146, %dma_start3A_155] : memref<24x512xf32, #tpu.memory_space<vmem>> -> memref<1x512xf32, #tpu.memory_space<vmem>>
      tpu.enqueue_dma source(%dma_start3A_156 : memref<1x512xf32, #tpu.memory_space<vmem>>) target(%dma_start3A_154 : memref<1x512xf32, #tpu.memory_space<hbm>>) target_semaphore(%arg7 : memref<!tpu.dma_semaphore, #tpu.memory_space<semaphore_mem>>)
      %slice3A_157 = vector.extract_strided_slice %get3A_24 {offsets = [11], sizes = [1], strides = [1]} : vector<16xi32> to vector<1xi32>
      %squeeze3A_158 = vector.extract %slice3A_157[0] : i32 from vector<1xi32>
      %add3A_159 = arith.constant 11 : i32
      %add3A_160 = arith.addi %add3A_27, %add3A_159 : i32
      %dma_start3A_161 = arith.constant 0 : i32
      %dma_start3A_162 = tpu.memref_slice %arg6[%squeeze3A_158, %dma_start3A_161] : memref<24x512xf32, #tpu.memory_space<vmem>> -> memref<1x512xf32, #tpu.memory_space<vmem>>
      %dma_start3A_163 = arith.constant 0 : i32
      %dma_start3A_164 = tpu.memref_slice %arg4[%add3A_160, %dma_start3A_163] : memref<204800x512xf32, #tpu.memory_space<hbm>> -> memref<1x512xf32, #tpu.memory_space<hbm>>
      %dma_start3A_165 = arith.constant 0 : i32
      %dma_start3A_166 = tpu.memref_slice %arg4[%add3A_160, %dma_start3A_165] : memref<204800x512xf32, #tpu.memory_space<hbm>> -> memref<1x512xf32, #tpu.memory_space<hbm>>
      %dma_start3A_167 = arith.constant 0 : i32
      %dma_start3A_168 = tpu.memref_slice %arg6[%squeeze3A_158, %dma_start3A_167] : memref<24x512xf32, #tpu.memory_space<vmem>> -> memref<1x512xf32, #tpu.memory_space<vmem>>
      tpu.enqueue_dma source(%dma_start3A_168 : memref<1x512xf32, #tpu.memory_space<vmem>>) target(%dma_start3A_166 : memref<1x512xf32, #tpu.memory_space<hbm>>) target_semaphore(%arg7 : memref<!tpu.dma_semaphore, #tpu.memory_space<semaphore_mem>>)
      %slice3A_169 = vector.extract_strided_slice %get3A_24 {offsets = [12], sizes = [1], strides = [1]} : vector<16xi32> to vector<1xi32>
      %squeeze3A_170 = vector.extract %slice3A_169[0] : i32 from vector<1xi32>
      %add3A_171 = arith.constant 12 : i32
      %add3A_172 = arith.addi %add3A_27, %add3A_171 : i32
      %dma_start3A_173 = arith.constant 0 : i32
      %dma_start3A_174 = tpu.memref_slice %arg6[%squeeze3A_170, %dma_start3A_173] : memref<24x512xf32, #tpu.memory_space<vmem>> -> memref<1x512xf32, #tpu.memory_space<vmem>>
      %dma_start3A_175 = arith.constant 0 : i32
      %dma_start3A_176 = tpu.memref_slice %arg4[%add3A_172, %dma_start3A_175] : memref<204800x512xf32, #tpu.memory_space<hbm>> -> memref<1x512xf32, #tpu.memory_space<hbm>>
      %dma_start3A_177 = arith.constant 0 : i32
      %dma_start3A_178 = tpu.memref_slice %arg4[%add3A_172, %dma_start3A_177] : memref<204800x512xf32, #tpu.memory_space<hbm>> -> memref<1x512xf32, #tpu.memory_space<hbm>>
      %dma_start3A_179 = arith.constant 0 : i32
      %dma_start3A_180 = tpu.memref_slice %arg6[%squeeze3A_170, %dma_start3A_179] : memref<24x512xf32, #tpu.memory_space<vmem>> -> memref<1x512xf32, #tpu.memory_space<vmem>>
      tpu.enqueue_dma source(%dma_start3A_180 : memref<1x512xf32, #tpu.memory_space<vmem>>) target(%dma_start3A_178 : memref<1x512xf32, #tpu.memory_space<hbm>>) target_semaphore(%arg7 : memref<!tpu.dma_semaphore, #tpu.memory_space<semaphore_mem>>)
      %slice3A_181 = vector.extract_strided_slice %get3A_24 {offsets = [13], sizes = [1], strides = [1]} : vector<16xi32> to vector<1xi32>
      %squeeze3A_182 = vector.extract %slice3A_181[0] : i32 from vector<1xi32>
      %add3A_183 = arith.constant 13 : i32
      %add3A_184 = arith.addi %add3A_27, %add3A_183 : i32
      %dma_start3A_185 = arith.constant 0 : i32
      %dma_start3A_186 = tpu.memref_slice %arg6[%squeeze3A_182, %dma_start3A_185] : memref<24x512xf32, #tpu.memory_space<vmem>> -> memref<1x512xf32, #tpu.memory_space<vmem>>
      %dma_start3A_187 = arith.constant 0 : i32
      %dma_start3A_188 = tpu.memref_slice %arg4[%add3A_184, %dma_start3A_187] : memref<204800x512xf32, #tpu.memory_space<hbm>> -> memref<1x512xf32, #tpu.memory_space<hbm>>
      %dma_start3A_189 = arith.constant 0 : i32
      %dma_start3A_190 = tpu.memref_slice %arg4[%add3A_184, %dma_start3A_189] : memref<204800x512xf32, #tpu.memory_space<hbm>> -> memref<1x512xf32, #tpu.memory_space<hbm>>
      %dma_start3A_191 = arith.constant 0 : i32
      %dma_start3A_192 = tpu.memref_slice %arg6[%squeeze3A_182, %dma_start3A_191] : memref<24x512xf32, #tpu.memory_space<vmem>> -> memref<1x512xf32, #tpu.memory_space<vmem>>
      tpu.enqueue_dma source(%dma_start3A_192 : memref<1x512xf32, #tpu.memory_space<vmem>>) target(%dma_start3A_190 : memref<1x512xf32, #tpu.memory_space<hbm>>) target_semaphore(%arg7 : memref<!tpu.dma_semaphore, #tpu.memory_space<semaphore_mem>>)
      %slice3A_193 = vector.extract_strided_slice %get3A_24 {offsets = [14], sizes = [1], strides = [1]} : vector<16xi32> to vector<1xi32>
      %squeeze3A_194 = vector.extract %slice3A_193[0] : i32 from vector<1xi32>
      %add3A_195 = arith.constant 14 : i32
      %add3A_196 = arith.addi %add3A_27, %add3A_195 : i32
      %dma_start3A_197 = arith.constant 0 : i32
      %dma_start3A_198 = tpu.memref_slice %arg6[%squeeze3A_194, %dma_start3A_197] : memref<24x512xf32, #tpu.memory_space<vmem>> -> memref<1x512xf32, #tpu.memory_space<vmem>>
      %dma_start3A_199 = arith.constant 0 : i32
      %dma_start3A_200 = tpu.memref_slice %arg4[%add3A_196, %dma_start3A_199] : memref<204800x512xf32, #tpu.memory_space<hbm>> -> memref<1x512xf32, #tpu.memory_space<hbm>>
      %dma_start3A_201 = arith.constant 0 : i32
      %dma_start3A_202 = tpu.memref_slice %arg4[%add3A_196, %dma_start3A_201] : memref<204800x512xf32, #tpu.memory_space<hbm>> -> memref<1x512xf32, #tpu.memory_space<hbm>>
      %dma_start3A_203 = arith.constant 0 : i32
      %dma_start3A_204 = tpu.memref_slice %arg6[%squeeze3A_194, %dma_start3A_203] : memref<24x512xf32, #tpu.memory_space<vmem>> -> memref<1x512xf32, #tpu.memory_space<vmem>>
      tpu.enqueue_dma source(%dma_start3A_204 : memref<1x512xf32, #tpu.memory_space<vmem>>) target(%dma_start3A_202 : memref<1x512xf32, #tpu.memory_space<hbm>>) target_semaphore(%arg7 : memref<!tpu.dma_semaphore, #tpu.memory_space<semaphore_mem>>)
      %slice3A_205 = vector.extract_strided_slice %get3A_24 {offsets = [15], sizes = [1], strides = [1]} : vector<16xi32> to vector<1xi32>
      %squeeze3A_206 = vector.extract %slice3A_205[0] : i32 from vector<1xi32>
      %add3A_207 = arith.constant 15 : i32
      %add3A_208 = arith.addi %add3A_27, %add3A_207 : i32
      %dma_start3A_209 = arith.constant 0 : i32
      %dma_start3A_210 = tpu.memref_slice %arg6[%squeeze3A_206, %dma_start3A_209] : memref<24x512xf32, #tpu.memory_space<vmem>> -> memref<1x512xf32, #tpu.memory_space<vmem>>
      %dma_start3A_211 = arith.constant 0 : i32
      %dma_start3A_212 = tpu.memref_slice %arg4[%add3A_208, %dma_start3A_211] : memref<204800x512xf32, #tpu.memory_space<hbm>> -> memref<1x512xf32, #tpu.memory_space<hbm>>
      %dma_start3A_213 = arith.constant 0 : i32
      %dma_start3A_214 = tpu.memref_slice %arg4[%add3A_208, %dma_start3A_213] : memref<204800x512xf32, #tpu.memory_space<hbm>> -> memref<1x512xf32, #tpu.memory_space<hbm>>
      %dma_start3A_215 = arith.constant 0 : i32
      %dma_start3A_216 = tpu.memref_slice %arg6[%squeeze3A_206, %dma_start3A_215] : memref<24x512xf32, #tpu.memory_space<vmem>> -> memref<1x512xf32, #tpu.memory_space<vmem>>
      tpu.enqueue_dma source(%dma_start3A_216 : memref<1x512xf32, #tpu.memory_space<vmem>>) target(%dma_start3A_214 : memref<1x512xf32, #tpu.memory_space<hbm>>) target_semaphore(%arg7 : memref<!tpu.dma_semaphore, #tpu.memory_space<semaphore_mem>>)
    }
    %scan3A_6 = arith.constant 4 : i32
    %scan3A_7 = arith.constant 0 : i32
    %scan3A_8 = arith.constant 396 : i32
    %scan3A_9 = arith.addi %scan3A_7, %scan3A_8 : i32
    %scan3A_10 = arith.constant 1 : i32
    scf.for %scan3A_17 = %scan3A_7 to %scan3A_9 step %scan3A_10  : i32 {
      %mul3A_18 = arith.constant 1 : i32
      %mul3A_19 = arith.muli %scan3A_17, %mul3A_18 : i32
      %add3A_20 = arith.constant 4 : i32
      %add3A_21 = arith.addi %add3A_20, %mul3A_19 : i32
      %dma_wait3A = arith.constant 0 : i32
      %dma_wait3A_22 = arith.constant 0 : i32
      %dma_wait3A_23 = tpu.memref_slice %arg6[%dma_wait3A, %dma_wait3A_22] : memref<24x512xf32, #tpu.memory_space<vmem>> -> memref<16x512xf32, #tpu.memory_space<vmem>>
      %dma_wait3A_24 = arith.constant 0 : i32
      %dma_wait3A_25 = arith.constant 0 : i32
      %dma_wait3A_26 = tpu.memref_slice %arg4[%dma_wait3A_24, %dma_wait3A_25] : memref<204800x512xf32, #tpu.memory_space<hbm>> -> memref<16x512xf32, #tpu.memory_space<hbm>>
      %dma_wait3A_27 = arith.constant 0 : i32
      %dma_wait3A_28 = arith.constant 0 : i32
      %dma_wait3A_29 = tpu.memref_slice %arg4[%dma_wait3A_27, %dma_wait3A_28] : memref<204800x512xf32, #tpu.memory_space<hbm>> -> memref<16x512xf32, #tpu.memory_space<hbm>>
      %dma_wait3A_30 = arith.constant 0 : i32
      %dma_wait3A_31 = arith.constant 0 : i32
      %dma_wait3A_32 = tpu.memref_slice %arg6[%dma_wait3A_30, %dma_wait3A_31] : memref<24x512xf32, #tpu.memory_space<vmem>> -> memref<16x512xf32, #tpu.memory_space<vmem>>
      tpu.wait_dma2 semaphore(%arg7 : memref<!tpu.dma_semaphore, #tpu.memory_space<semaphore_mem>>) src(%dma_wait3A_32 : memref<16x512xf32, #tpu.memory_space<vmem>>) dst(%dma_wait3A_29 : memref<16x512xf32, #tpu.memory_space<hbm>>)
      %mul3A_33 = arith.constant 16 : i32
      %mul3A_34 = arith.muli %add3A_21, %mul3A_33 : i32
      %get3A = arith.index_cast %mul3A_34 : i32 to index
      %get3A_35 = tpu.vector_load %arg5[%get3A] {strides = array<i32>} : memref<6400xi32, #tpu.memory_space<vmem>>, vector<16xi32>,
      %mul3A_36 = arith.constant 16 : i32
      %mul3A_37 = arith.muli %add3A_21, %mul3A_36 : i32
      %add3A_38 = arith.addi %mul3A_2, %mul3A_37 : i32
      %slice3A = vector.extract_strided_slice %get3A_35 {offsets = [0], sizes = [1], strides = [1]} : vector<16xi32> to vector<1xi32>
      %squeeze3A = vector.extract %slice3A[0] : i32 from vector<1xi32>
      %add3A_39 = arith.constant 0 : i32
      %add3A_40 = arith.addi %add3A_38, %add3A_39 : i32
      %dma_start3A = arith.constant 0 : i32
      %dma_start3A_41 = tpu.memref_slice %arg6[%squeeze3A, %dma_start3A] : memref<24x512xf32, #tpu.memory_space<vmem>> -> memref<1x512xf32, #tpu.memory_space<vmem>>
      %dma_start3A_42 = arith.constant 0 : i32
      %dma_start3A_43 = tpu.memref_slice %arg4[%add3A_40, %dma_start3A_42] : memref<204800x512xf32, #tpu.memory_space<hbm>> -> memref<1x512xf32, #tpu.memory_space<hbm>>
      %dma_start3A_44 = arith.constant 0 : i32
      %dma_start3A_45 = tpu.memref_slice %arg4[%add3A_40, %dma_start3A_44] : memref<204800x512xf32, #tpu.memory_space<hbm>> -> memref<1x512xf32, #tpu.memory_space<hbm>>
      %dma_start3A_46 = arith.constant 0 : i32
      %dma_start3A_47 = tpu.memref_slice %arg6[%squeeze3A, %dma_start3A_46] : memref<24x512xf32, #tpu.memory_space<vmem>> -> memref<1x512xf32, #tpu.memory_space<vmem>>
      tpu.enqueue_dma source(%dma_start3A_47 : memref<1x512xf32, #tpu.memory_space<vmem>>) target(%dma_start3A_45 : memref<1x512xf32, #tpu.memory_space<hbm>>) target_semaphore(%arg7 : memref<!tpu.dma_semaphore, #tpu.memory_space<semaphore_mem>>)
      %slice3A_48 = vector.extract_strided_slice %get3A_35 {offsets = [1], sizes = [1], strides = [1]} : vector<16xi32> to vector<1xi32>
      %squeeze3A_49 = vector.extract %slice3A_48[0] : i32 from vector<1xi32>
      %add3A_50 = arith.constant 1 : i32
      %add3A_51 = arith.addi %add3A_38, %add3A_50 : i32
      %dma_start3A_52 = arith.constant 0 : i32
      %dma_start3A_53 = tpu.memref_slice %arg6[%squeeze3A_49, %dma_start3A_52] : memref<24x512xf32, #tpu.memory_space<vmem>> -> memref<1x512xf32, #tpu.memory_space<vmem>>
      %dma_start3A_54 = arith.constant 0 : i32
      %dma_start3A_55 = tpu.memref_slice %arg4[%add3A_51, %dma_start3A_54] : memref<204800x512xf32, #tpu.memory_space<hbm>> -> memref<1x512xf32, #tpu.memory_space<hbm>>
      %dma_start3A_56 = arith.constant 0 : i32
      %dma_start3A_57 = tpu.memref_slice %arg4[%add3A_51, %dma_start3A_56] : memref<204800x512xf32, #tpu.memory_space<hbm>> -> memref<1x512xf32, #tpu.memory_space<hbm>>
      %dma_start3A_58 = arith.constant 0 : i32
      %dma_start3A_59 = tpu.memref_slice %arg6[%squeeze3A_49, %dma_start3A_58] : memref<24x512xf32, #tpu.memory_space<vmem>> -> memref<1x512xf32, #tpu.memory_space<vmem>>
      tpu.enqueue_dma source(%dma_start3A_59 : memref<1x512xf32, #tpu.memory_space<vmem>>) target(%dma_start3A_57 : memref<1x512xf32, #tpu.memory_space<hbm>>) target_semaphore(%arg7 : memref<!tpu.dma_semaphore, #tpu.memory_space<semaphore_mem>>)
      %slice3A_60 = vector.extract_strided_slice %get3A_35 {offsets = [2], sizes = [1], strides = [1]} : vector<16xi32> to vector<1xi32>
      %squeeze3A_61 = vector.extract %slice3A_60[0] : i32 from vector<1xi32>
      %add3A_62 = arith.constant 2 : i32
      %add3A_63 = arith.addi %add3A_38, %add3A_62 : i32
      %dma_start3A_64 = arith.constant 0 : i32
      %dma_start3A_65 = tpu.memref_slice %arg6[%squeeze3A_61, %dma_start3A_64] : memref<24x512xf32, #tpu.memory_space<vmem>> -> memref<1x512xf32, #tpu.memory_space<vmem>>
      %dma_start3A_66 = arith.constant 0 : i32
      %dma_start3A_67 = tpu.memref_slice %arg4[%add3A_63, %dma_start3A_66] : memref<204800x512xf32, #tpu.memory_space<hbm>> -> memref<1x512xf32, #tpu.memory_space<hbm>>
      %dma_start3A_68 = arith.constant 0 : i32
      %dma_start3A_69 = tpu.memref_slice %arg4[%add3A_63, %dma_start3A_68] : memref<204800x512xf32, #tpu.memory_space<hbm>> -> memref<1x512xf32, #tpu.memory_space<hbm>>
      %dma_start3A_70 = arith.constant 0 : i32
      %dma_start3A_71 = tpu.memref_slice %arg6[%squeeze3A_61, %dma_start3A_70] : memref<24x512xf32, #tpu.memory_space<vmem>> -> memref<1x512xf32, #tpu.memory_space<vmem>>
      tpu.enqueue_dma source(%dma_start3A_71 : memref<1x512xf32, #tpu.memory_space<vmem>>) target(%dma_start3A_69 : memref<1x512xf32, #tpu.memory_space<hbm>>) target_semaphore(%arg7 : memref<!tpu.dma_semaphore, #tpu.memory_space<semaphore_mem>>)
      %slice3A_72 = vector.extract_strided_slice %get3A_35 {offsets = [3], sizes = [1], strides = [1]} : vector<16xi32> to vector<1xi32>
      %squeeze3A_73 = vector.extract %slice3A_72[0] : i32 from vector<1xi32>
      %add3A_74 = arith.constant 3 : i32
      %add3A_75 = arith.addi %add3A_38, %add3A_74 : i32
      %dma_start3A_76 = arith.constant 0 : i32
      %dma_start3A_77 = tpu.memref_slice %arg6[%squeeze3A_73, %dma_start3A_76] : memref<24x512xf32, #tpu.memory_space<vmem>> -> memref<1x512xf32, #tpu.memory_space<vmem>>
      %dma_start3A_78 = arith.constant 0 : i32
      %dma_start3A_79 = tpu.memref_slice %arg4[%add3A_75, %dma_start3A_78] : memref<204800x512xf32, #tpu.memory_space<hbm>> -> memref<1x512xf32, #tpu.memory_space<hbm>>
      %dma_start3A_80 = arith.constant 0 : i32
      %dma_start3A_81 = tpu.memref_slice %arg4[%add3A_75, %dma_start3A_80] : memref<204800x512xf32, #tpu.memory_space<hbm>> -> memref<1x512xf32, #tpu.memory_space<hbm>>
      %dma_start3A_82 = arith.constant 0 : i32
      %dma_start3A_83 = tpu.memref_slice %arg6[%squeeze3A_73, %dma_start3A_82] : memref<24x512xf32, #tpu.memory_space<vmem>> -> memref<1x512xf32, #tpu.memory_space<vmem>>
      tpu.enqueue_dma source(%dma_start3A_83 : memref<1x512xf32, #tpu.memory_space<vmem>>) target(%dma_start3A_81 : memref<1x512xf32, #tpu.memory_space<hbm>>) target_semaphore(%arg7 : memref<!tpu.dma_semaphore, #tpu.memory_space<semaphore_mem>>)
      %slice3A_84 = vector.extract_strided_slice %get3A_35 {offsets = [4], sizes = [1], strides = [1]} : vector<16xi32> to vector<1xi32>
      %squeeze3A_85 = vector.extract %slice3A_84[0] : i32 from vector<1xi32>
      %add3A_86 = arith.constant 4 : i32
      %add3A_87 = arith.addi %add3A_38, %add3A_86 : i32
      %dma_start3A_88 = arith.constant 0 : i32
      %dma_start3A_89 = tpu.memref_slice %arg6[%squeeze3A_85, %dma_start3A_88] : memref<24x512xf32, #tpu.memory_space<vmem>> -> memref<1x512xf32, #tpu.memory_space<vmem>>
      %dma_start3A_90 = arith.constant 0 : i32
      %dma_start3A_91 = tpu.memref_slice %arg4[%add3A_87, %dma_start3A_90] : memref<204800x512xf32, #tpu.memory_space<hbm>> -> memref<1x512xf32, #tpu.memory_space<hbm>>
      %dma_start3A_92 = arith.constant 0 : i32
      %dma_start3A_93 = tpu.memref_slice %arg4[%add3A_87, %dma_start3A_92] : memref<204800x512xf32, #tpu.memory_space<hbm>> -> memref<1x512xf32, #tpu.memory_space<hbm>>
      %dma_start3A_94 = arith.constant 0 : i32
      %dma_start3A_95 = tpu.memref_slice %arg6[%squeeze3A_85, %dma_start3A_94] : memref<24x512xf32, #tpu.memory_space<vmem>> -> memref<1x512xf32, #tpu.memory_space<vmem>>
      tpu.enqueue_dma source(%dma_start3A_95 : memref<1x512xf32, #tpu.memory_space<vmem>>) target(%dma_start3A_93 : memref<1x512xf32, #tpu.memory_space<hbm>>) target_semaphore(%arg7 : memref<!tpu.dma_semaphore, #tpu.memory_space<semaphore_mem>>)
      %slice3A_96 = vector.extract_strided_slice %get3A_35 {offsets = [5], sizes = [1], strides = [1]} : vector<16xi32> to vector<1xi32>
      %squeeze3A_97 = vector.extract %slice3A_96[0] : i32 from vector<1xi32>
      %add3A_98 = arith.constant 5 : i32
      %add3A_99 = arith.addi %add3A_38, %add3A_98 : i32
      %dma_start3A_100 = arith.constant 0 : i32
      %dma_start3A_101 = tpu.memref_slice %arg6[%squeeze3A_97, %dma_start3A_100] : memref<24x512xf32, #tpu.memory_space<vmem>> -> memref<1x512xf32, #tpu.memory_space<vmem>>
      %dma_start3A_102 = arith.constant 0 : i32
      %dma_start3A_103 = tpu.memref_slice %arg4[%add3A_99, %dma_start3A_102] : memref<204800x512xf32, #tpu.memory_space<hbm>> -> memref<1x512xf32, #tpu.memory_space<hbm>>
      %dma_start3A_104 = arith.constant 0 : i32
      %dma_start3A_105 = tpu.memref_slice %arg4[%add3A_99, %dma_start3A_104] : memref<204800x512xf32, #tpu.memory_space<hbm>> -> memref<1x512xf32, #tpu.memory_space<hbm>>
      %dma_start3A_106 = arith.constant 0 : i32
      %dma_start3A_107 = tpu.memref_slice %arg6[%squeeze3A_97, %dma_start3A_106] : memref<24x512xf32, #tpu.memory_space<vmem>> -> memref<1x512xf32, #tpu.memory_space<vmem>>
      tpu.enqueue_dma source(%dma_start3A_107 : memref<1x512xf32, #tpu.memory_space<vmem>>) target(%dma_start3A_105 : memref<1x512xf32, #tpu.memory_space<hbm>>) target_semaphore(%arg7 : memref<!tpu.dma_semaphore, #tpu.memory_space<semaphore_mem>>)
      %slice3A_108 = vector.extract_strided_slice %get3A_35 {offsets = [6], sizes = [1], strides = [1]} : vector<16xi32> to vector<1xi32>
      %squeeze3A_109 = vector.extract %slice3A_108[0] : i32 from vector<1xi32>
      %add3A_110 = arith.constant 6 : i32
      %add3A_111 = arith.addi %add3A_38, %add3A_110 : i32
      %dma_start3A_112 = arith.constant 0 : i32
      %dma_start3A_113 = tpu.memref_slice %arg6[%squeeze3A_109, %dma_start3A_112] : memref<24x512xf32, #tpu.memory_space<vmem>> -> memref<1x512xf32, #tpu.memory_space<vmem>>
      %dma_start3A_114 = arith.constant 0 : i32
      %dma_start3A_115 = tpu.memref_slice %arg4[%add3A_111, %dma_start3A_114] : memref<204800x512xf32, #tpu.memory_space<hbm>> -> memref<1x512xf32, #tpu.memory_space<hbm>>
      %dma_start3A_116 = arith.constant 0 : i32
      %dma_start3A_117 = tpu.memref_slice %arg4[%add3A_111, %dma_start3A_116] : memref<204800x512xf32, #tpu.memory_space<hbm>> -> memref<1x512xf32, #tpu.memory_space<hbm>>
      %dma_start3A_118 = arith.constant 0 : i32
      %dma_start3A_119 = tpu.memref_slice %arg6[%squeeze3A_109, %dma_start3A_118] : memref<24x512xf32, #tpu.memory_space<vmem>> -> memref<1x512xf32, #tpu.memory_space<vmem>>
      tpu.enqueue_dma source(%dma_start3A_119 : memref<1x512xf32, #tpu.memory_space<vmem>>) target(%dma_start3A_117 : memref<1x512xf32, #tpu.memory_space<hbm>>) target_semaphore(%arg7 : memref<!tpu.dma_semaphore, #tpu.memory_space<semaphore_mem>>)
      %slice3A_120 = vector.extract_strided_slice %get3A_35 {offsets = [7], sizes = [1], strides = [1]} : vector<16xi32> to vector<1xi32>
      %squeeze3A_121 = vector.extract %slice3A_120[0] : i32 from vector<1xi32>
      %add3A_122 = arith.constant 7 : i32
      %add3A_123 = arith.addi %add3A_38, %add3A_122 : i32
      %dma_start3A_124 = arith.constant 0 : i32
      %dma_start3A_125 = tpu.memref_slice %arg6[%squeeze3A_121, %dma_start3A_124] : memref<24x512xf32, #tpu.memory_space<vmem>> -> memref<1x512xf32, #tpu.memory_space<vmem>>
      %dma_start3A_126 = arith.constant 0 : i32
      %dma_start3A_127 = tpu.memref_slice %arg4[%add3A_123, %dma_start3A_126] : memref<204800x512xf32, #tpu.memory_space<hbm>> -> memref<1x512xf32, #tpu.memory_space<hbm>>
      %dma_start3A_128 = arith.constant 0 : i32
      %dma_start3A_129 = tpu.memref_slice %arg4[%add3A_123, %dma_start3A_128] : memref<204800x512xf32, #tpu.memory_space<hbm>> -> memref<1x512xf32, #tpu.memory_space<hbm>>
      %dma_start3A_130 = arith.constant 0 : i32
      %dma_start3A_131 = tpu.memref_slice %arg6[%squeeze3A_121, %dma_start3A_130] : memref<24x512xf32, #tpu.memory_space<vmem>> -> memref<1x512xf32, #tpu.memory_space<vmem>>
      tpu.enqueue_dma source(%dma_start3A_131 : memref<1x512xf32, #tpu.memory_space<vmem>>) target(%dma_start3A_129 : memref<1x512xf32, #tpu.memory_space<hbm>>) target_semaphore(%arg7 : memref<!tpu.dma_semaphore, #tpu.memory_space<semaphore_mem>>)
      %slice3A_132 = vector.extract_strided_slice %get3A_35 {offsets = [8], sizes = [1], strides = [1]} : vector<16xi32> to vector<1xi32>
      %squeeze3A_133 = vector.extract %slice3A_132[0] : i32 from vector<1xi32>
      %add3A_134 = arith.constant 8 : i32
      %add3A_135 = arith.addi %add3A_38, %add3A_134 : i32
      %dma_start3A_136 = arith.constant 0 : i32
      %dma_start3A_137 = tpu.memref_slice %arg6[%squeeze3A_133, %dma_start3A_136] : memref<24x512xf32, #tpu.memory_space<vmem>> -> memref<1x512xf32, #tpu.memory_space<vmem>>
      %dma_start3A_138 = arith.constant 0 : i32
      %dma_start3A_139 = tpu.memref_slice %arg4[%add3A_135, %dma_start3A_138] : memref<204800x512xf32, #tpu.memory_space<hbm>> -> memref<1x512xf32, #tpu.memory_space<hbm>>
      %dma_start3A_140 = arith.constant 0 : i32
      %dma_start3A_141 = tpu.memref_slice %arg4[%add3A_135, %dma_start3A_140] : memref<204800x512xf32, #tpu.memory_space<hbm>> -> memref<1x512xf32, #tpu.memory_space<hbm>>
      %dma_start3A_142 = arith.constant 0 : i32
      %dma_start3A_143 = tpu.memref_slice %arg6[%squeeze3A_133, %dma_start3A_142] : memref<24x512xf32, #tpu.memory_space<vmem>> -> memref<1x512xf32, #tpu.memory_space<vmem>>
      tpu.enqueue_dma source(%dma_start3A_143 : memref<1x512xf32, #tpu.memory_space<vmem>>) target(%dma_start3A_141 : memref<1x512xf32, #tpu.memory_space<hbm>>) target_semaphore(%arg7 : memref<!tpu.dma_semaphore, #tpu.memory_space<semaphore_mem>>)
      %slice3A_144 = vector.extract_strided_slice %get3A_35 {offsets = [9], sizes = [1], strides = [1]} : vector<16xi32> to vector<1xi32>
      %squeeze3A_145 = vector.extract %slice3A_144[0] : i32 from vector<1xi32>
      %add3A_146 = arith.constant 9 : i32
      %add3A_147 = arith.addi %add3A_38, %add3A_146 : i32
      %dma_start3A_148 = arith.constant 0 : i32
      %dma_start3A_149 = tpu.memref_slice %arg6[%squeeze3A_145, %dma_start3A_148] : memref<24x512xf32, #tpu.memory_space<vmem>> -> memref<1x512xf32, #tpu.memory_space<vmem>>
      %dma_start3A_150 = arith.constant 0 : i32
      %dma_start3A_151 = tpu.memref_slice %arg4[%add3A_147, %dma_start3A_150] : memref<204800x512xf32, #tpu.memory_space<hbm>> -> memref<1x512xf32, #tpu.memory_space<hbm>>
      %dma_start3A_152 = arith.constant 0 : i32
      %dma_start3A_153 = tpu.memref_slice %arg4[%add3A_147, %dma_start3A_152] : memref<204800x512xf32, #tpu.memory_space<hbm>> -> memref<1x512xf32, #tpu.memory_space<hbm>>
      %dma_start3A_154 = arith.constant 0 : i32
      %dma_start3A_155 = tpu.memref_slice %arg6[%squeeze3A_145, %dma_start3A_154] : memref<24x512xf32, #tpu.memory_space<vmem>> -> memref<1x512xf32, #tpu.memory_space<vmem>>
      tpu.enqueue_dma source(%dma_start3A_155 : memref<1x512xf32, #tpu.memory_space<vmem>>) target(%dma_start3A_153 : memref<1x512xf32, #tpu.memory_space<hbm>>) target_semaphore(%arg7 : memref<!tpu.dma_semaphore, #tpu.memory_space<semaphore_mem>>)
      %slice3A_156 = vector.extract_strided_slice %get3A_35 {offsets = [10], sizes = [1], strides = [1]} : vector<16xi32> to vector<1xi32>
      %squeeze3A_157 = vector.extract %slice3A_156[0] : i32 from vector<1xi32>
      %add3A_158 = arith.constant 10 : i32
      %add3A_159 = arith.addi %add3A_38, %add3A_158 : i32
      %dma_start3A_160 = arith.constant 0 : i32
      %dma_start3A_161 = tpu.memref_slice %arg6[%squeeze3A_157, %dma_start3A_160] : memref<24x512xf32, #tpu.memory_space<vmem>> -> memref<1x512xf32, #tpu.memory_space<vmem>>
      %dma_start3A_162 = arith.constant 0 : i32
      %dma_start3A_163 = tpu.memref_slice %arg4[%add3A_159, %dma_start3A_162] : memref<204800x512xf32, #tpu.memory_space<hbm>> -> memref<1x512xf32, #tpu.memory_space<hbm>>
      %dma_start3A_164 = arith.constant 0 : i32
      %dma_start3A_165 = tpu.memref_slice %arg4[%add3A_159, %dma_start3A_164] : memref<204800x512xf32, #tpu.memory_space<hbm>> -> memref<1x512xf32, #tpu.memory_space<hbm>>
      %dma_start3A_166 = arith.constant 0 : i32
      %dma_start3A_167 = tpu.memref_slice %arg6[%squeeze3A_157, %dma_start3A_166] : memref<24x512xf32, #tpu.memory_space<vmem>> -> memref<1x512xf32, #tpu.memory_space<vmem>>
      tpu.enqueue_dma source(%dma_start3A_167 : memref<1x512xf32, #tpu.memory_space<vmem>>) target(%dma_start3A_165 : memref<1x512xf32, #tpu.memory_space<hbm>>) target_semaphore(%arg7 : memref<!tpu.dma_semaphore, #tpu.memory_space<semaphore_mem>>)
      %slice3A_168 = vector.extract_strided_slice %get3A_35 {offsets = [11], sizes = [1], strides = [1]} : vector<16xi32> to vector<1xi32>
      %squeeze3A_169 = vector.extract %slice3A_168[0] : i32 from vector<1xi32>
      %add3A_170 = arith.constant 11 : i32
      %add3A_171 = arith.addi %add3A_38, %add3A_170 : i32
      %dma_start3A_172 = arith.constant 0 : i32
      %dma_start3A_173 = tpu.memref_slice %arg6[%squeeze3A_169, %dma_start3A_172] : memref<24x512xf32, #tpu.memory_space<vmem>> -> memref<1x512xf32, #tpu.memory_space<vmem>>
      %dma_start3A_174 = arith.constant 0 : i32
      %dma_start3A_175 = tpu.memref_slice %arg4[%add3A_171, %dma_start3A_174] : memref<204800x512xf32, #tpu.memory_space<hbm>> -> memref<1x512xf32, #tpu.memory_space<hbm>>
      %dma_start3A_176 = arith.constant 0 : i32
      %dma_start3A_177 = tpu.memref_slice %arg4[%add3A_171, %dma_start3A_176] : memref<204800x512xf32, #tpu.memory_space<hbm>> -> memref<1x512xf32, #tpu.memory_space<hbm>>
      %dma_start3A_178 = arith.constant 0 : i32
      %dma_start3A_179 = tpu.memref_slice %arg6[%squeeze3A_169, %dma_start3A_178] : memref<24x512xf32, #tpu.memory_space<vmem>> -> memref<1x512xf32, #tpu.memory_space<vmem>>
      tpu.enqueue_dma source(%dma_start3A_179 : memref<1x512xf32, #tpu.memory_space<vmem>>) target(%dma_start3A_177 : memref<1x512xf32, #tpu.memory_space<hbm>>) target_semaphore(%arg7 : memref<!tpu.dma_semaphore, #tpu.memory_space<semaphore_mem>>)
      %slice3A_180 = vector.extract_strided_slice %get3A_35 {offsets = [12], sizes = [1], strides = [1]} : vector<16xi32> to vector<1xi32>
      %squeeze3A_181 = vector.extract %slice3A_180[0] : i32 from vector<1xi32>
      %add3A_182 = arith.constant 12 : i32
      %add3A_183 = arith.addi %add3A_38, %add3A_182 : i32
      %dma_start3A_184 = arith.constant 0 : i32
      %dma_start3A_185 = tpu.memref_slice %arg6[%squeeze3A_181, %dma_start3A_184] : memref<24x512xf32, #tpu.memory_space<vmem>> -> memref<1x512xf32, #tpu.memory_space<vmem>>
      %dma_start3A_186 = arith.constant 0 : i32
      %dma_start3A_187 = tpu.memref_slice %arg4[%add3A_183, %dma_start3A_186] : memref<204800x512xf32, #tpu.memory_space<hbm>> -> memref<1x512xf32, #tpu.memory_space<hbm>>
      %dma_start3A_188 = arith.constant 0 : i32
      %dma_start3A_189 = tpu.memref_slice %arg4[%add3A_183, %dma_start3A_188] : memref<204800x512xf32, #tpu.memory_space<hbm>> -> memref<1x512xf32, #tpu.memory_space<hbm>>
      %dma_start3A_190 = arith.constant 0 : i32
      %dma_start3A_191 = tpu.memref_slice %arg6[%squeeze3A_181, %dma_start3A_190] : memref<24x512xf32, #tpu.memory_space<vmem>> -> memref<1x512xf32, #tpu.memory_space<vmem>>
      tpu.enqueue_dma source(%dma_start3A_191 : memref<1x512xf32, #tpu.memory_space<vmem>>) target(%dma_start3A_189 : memref<1x512xf32, #tpu.memory_space<hbm>>) target_semaphore(%arg7 : memref<!tpu.dma_semaphore, #tpu.memory_space<semaphore_mem>>)
      %slice3A_192 = vector.extract_strided_slice %get3A_35 {offsets = [13], sizes = [1], strides = [1]} : vector<16xi32> to vector<1xi32>
      %squeeze3A_193 = vector.extract %slice3A_192[0] : i32 from vector<1xi32>
      %add3A_194 = arith.constant 13 : i32
      %add3A_195 = arith.addi %add3A_38, %add3A_194 : i32
      %dma_start3A_196 = arith.constant 0 : i32
      %dma_start3A_197 = tpu.memref_slice %arg6[%squeeze3A_193, %dma_start3A_196] : memref<24x512xf32, #tpu.memory_space<vmem>> -> memref<1x512xf32, #tpu.memory_space<vmem>>
      %dma_start3A_198 = arith.constant 0 : i32
      %dma_start3A_199 = tpu.memref_slice %arg4[%add3A_195, %dma_start3A_198] : memref<204800x512xf32, #tpu.memory_space<hbm>> -> memref<1x512xf32, #tpu.memory_space<hbm>>
      %dma_start3A_200 = arith.constant 0 : i32
      %dma_start3A_201 = tpu.memref_slice %arg4[%add3A_195, %dma_start3A_200] : memref<204800x512xf32, #tpu.memory_space<hbm>> -> memref<1x512xf32, #tpu.memory_space<hbm>>
      %dma_start3A_202 = arith.constant 0 : i32
      %dma_start3A_203 = tpu.memref_slice %arg6[%squeeze3A_193, %dma_start3A_202] : memref<24x512xf32, #tpu.memory_space<vmem>> -> memref<1x512xf32, #tpu.memory_space<vmem>>
      tpu.enqueue_dma source(%dma_start3A_203 : memref<1x512xf32, #tpu.memory_space<vmem>>) target(%dma_start3A_201 : memref<1x512xf32, #tpu.memory_space<hbm>>) target_semaphore(%arg7 : memref<!tpu.dma_semaphore, #tpu.memory_space<semaphore_mem>>)
      %slice3A_204 = vector.extract_strided_slice %get3A_35 {offsets = [14], sizes = [1], strides = [1]} : vector<16xi32> to vector<1xi32>
      %squeeze3A_205 = vector.extract %slice3A_204[0] : i32 from vector<1xi32>
      %add3A_206 = arith.constant 14 : i32
      %add3A_207 = arith.addi %add3A_38, %add3A_206 : i32
      %dma_start3A_208 = arith.constant 0 : i32
      %dma_start3A_209 = tpu.memref_slice %arg6[%squeeze3A_205, %dma_start3A_208] : memref<24x512xf32, #tpu.memory_space<vmem>> -> memref<1x512xf32, #tpu.memory_space<vmem>>
      %dma_start3A_210 = arith.constant 0 : i32
      %dma_start3A_211 = tpu.memref_slice %arg4[%add3A_207, %dma_start3A_210] : memref<204800x512xf32, #tpu.memory_space<hbm>> -> memref<1x512xf32, #tpu.memory_space<hbm>>
      %dma_start3A_212 = arith.constant 0 : i32
      %dma_start3A_213 = tpu.memref_slice %arg4[%add3A_207, %dma_start3A_212] : memref<204800x512xf32, #tpu.memory_space<hbm>> -> memref<1x512xf32, #tpu.memory_space<hbm>>
      %dma_start3A_214 = arith.constant 0 : i32
      %dma_start3A_215 = tpu.memref_slice %arg6[%squeeze3A_205, %dma_start3A_214] : memref<24x512xf32, #tpu.memory_space<vmem>> -> memref<1x512xf32, #tpu.memory_space<vmem>>
      tpu.enqueue_dma source(%dma_start3A_215 : memref<1x512xf32, #tpu.memory_space<vmem>>) target(%dma_start3A_213 : memref<1x512xf32, #tpu.memory_space<hbm>>) target_semaphore(%arg7 : memref<!tpu.dma_semaphore, #tpu.memory_space<semaphore_mem>>)
      %slice3A_216 = vector.extract_strided_slice %get3A_35 {offsets = [15], sizes = [1], strides = [1]} : vector<16xi32> to vector<1xi32>
      %squeeze3A_217 = vector.extract %slice3A_216[0] : i32 from vector<1xi32>
      %add3A_218 = arith.constant 15 : i32
      %add3A_219 = arith.addi %add3A_38, %add3A_218 : i32
      %dma_start3A_220 = arith.constant 0 : i32
      %dma_start3A_221 = tpu.memref_slice %arg6[%squeeze3A_217, %dma_start3A_220] : memref<24x512xf32, #tpu.memory_space<vmem>> -> memref<1x512xf32, #tpu.memory_space<vmem>>
      %dma_start3A_222 = arith.constant 0 : i32
      %dma_start3A_223 = tpu.memref_slice %arg4[%add3A_219, %dma_start3A_222] : memref<204800x512xf32, #tpu.memory_space<hbm>> -> memref<1x512xf32, #tpu.memory_space<hbm>>
      %dma_start3A_224 = arith.constant 0 : i32
      %dma_start3A_225 = tpu.memref_slice %arg4[%add3A_219, %dma_start3A_224] : memref<204800x512xf32, #tpu.memory_space<hbm>> -> memref<1x512xf32, #tpu.memory_space<hbm>>
      %dma_start3A_226 = arith.constant 0 : i32
      %dma_start3A_227 = tpu.memref_slice %arg6[%squeeze3A_217, %dma_start3A_226] : memref<24x512xf32, #tpu.memory_space<vmem>> -> memref<1x512xf32, #tpu.memory_space<vmem>>
      tpu.enqueue_dma source(%dma_start3A_227 : memref<1x512xf32, #tpu.memory_space<vmem>>) target(%dma_start3A_225 : memref<1x512xf32, #tpu.memory_space<hbm>>) target_semaphore(%arg7 : memref<!tpu.dma_semaphore, #tpu.memory_space<semaphore_mem>>)
    }
    %scan3A_11 = arith.constant 396 : i32
    %scan3A_12 = arith.constant 0 : i32
    %scan3A_13 = arith.constant 4 : i32
    %scan3A_14 = arith.addi %scan3A_12, %scan3A_13 : i32
    %scan3A_15 = arith.constant 1 : i32
    scf.for %scan3A_17 = %scan3A_12 to %scan3A_14 step %scan3A_15  : i32 {
      %mul3A_18 = arith.constant 1 : i32
      %mul3A_19 = arith.muli %scan3A_17, %mul3A_18 : i32
      %add3A_20 = arith.constant 0 : i32
      %add3A_21 = arith.addi %add3A_20, %mul3A_19 : i32
      %dma_wait3A = arith.constant 0 : i32
      %dma_wait3A_22 = arith.constant 0 : i32
      %dma_wait3A_23 = tpu.memref_slice %arg6[%dma_wait3A, %dma_wait3A_22] : memref<24x512xf32, #tpu.memory_space<vmem>> -> memref<16x512xf32, #tpu.memory_space<vmem>>
      %dma_wait3A_24 = arith.constant 0 : i32
      %dma_wait3A_25 = arith.constant 0 : i32
      %dma_wait3A_26 = tpu.memref_slice %arg4[%dma_wait3A_24, %dma_wait3A_25] : memref<204800x512xf32, #tpu.memory_space<hbm>> -> memref<16x512xf32, #tpu.memory_space<hbm>>
      %dma_wait3A_27 = arith.constant 0 : i32
      %dma_wait3A_28 = arith.constant 0 : i32
      %dma_wait3A_29 = tpu.memref_slice %arg4[%dma_wait3A_27, %dma_wait3A_28] : memref<204800x512xf32, #tpu.memory_space<hbm>> -> memref<16x512xf32, #tpu.memory_space<hbm>>
      %dma_wait3A_30 = arith.constant 0 : i32
      %dma_wait3A_31 = arith.constant 0 : i32
      %dma_wait3A_32 = tpu.memref_slice %arg6[%dma_wait3A_30, %dma_wait3A_31] : memref<24x512xf32, #tpu.memory_space<vmem>> -> memref<16x512xf32, #tpu.memory_space<vmem>>
      tpu.wait_dma2 semaphore(%arg7 : memref<!tpu.dma_semaphore, #tpu.memory_space<semaphore_mem>>) src(%dma_wait3A_32 : memref<16x512xf32, #tpu.memory_space<vmem>>) dst(%dma_wait3A_29 : memref<16x512xf32, #tpu.memory_space<hbm>>)
    }
    %scan3A_16 = arith.constant 4 : i32
    return
  }
}

</mosaic_0001>

<sc_bundles>
// kernel: kernel.3.cloned.1.call-start
scs
__scs_entry_jumppad:
0x0: {  	(pc) =	sbr.rel $0x88, $3  }
0x1: {  	(tag) =	ssettag $0x0;
	lr =	simm.s32 $0x1  }
0x2: {  	[smem:$0x3F9F] =	sst lr;
	_ =	strace $0xD0000000  }
0x3: {  	_ = 	snop  }
0x4: {  	_ = 	snop  }
0x5: {  	_ = 	snop  }
0x6: {  	_ = 	snop  }
0x7: {  	_ = 	snop  }
__scs_overlays_trampoline_lowered:
0x8: {  	[smem:$0x3FAE] =	sst s0  }
0x9: {  	[smem:$0x3FAF] =	sst s1  }
0xa: {  	[smem:$0x3FB0] =	sst s2  }
0xb: {  	[smem:$0x3FB1] =	sst s3  }
0xc: {  	[smem:$0x3FB2] =	sst s4  }
0xd: {  	[smem:$0x3FB3] =	sst s5  }
0xe: {  	[smem:$0x3FB4] =	sst s6  }
0xf: {  	[smem:$0x3FB5] =	sst s7  }
0x10: {  	[smem:$0x3FB6] =	sst s8  }
0x11: {  	[smem:$0x3FB7] =	sst s9;
	s0 =	simm.s32 @!p0 $0x0  }
0x12: {  	s1 =	sld [smem:$0x3F9D];
	s0 =	simm.s32 @p0 $0x1  }
0x13: {  	[smem:$0x3FB8] =	sst s0;
	s0 =	simm.s32 @!p1 $0x0  }
0x14: {  	s2 =	sld [smem:$0x3F9C];
	s0 =	simm.s32 @p1 $0x1  }
0x15: {  	[smem:$0x3FB9] =	sst s0;
	s0 =	simm.s32 @!p2 $0x0  }
0x16: {  	s3 =	sld [smem:$0x3FDB];
	s0 =	simm.s32 @p2 $0x1  }
0x17: {  	s4 =	simm.s32 $0x1BF5;
	[smem:$0x3FBB] =	sst s0  }
0x18: {  	s0 =	sld [smem:$0x3F9E];
	_ =	swait.ge [sflag:s4], $0x0  }
0x19: {  	s7 =	sld [smem:$0x3F9F]  }
0x1a: {  	s8 =	sadd.s32 $0xFFFFE003, lr  }
0x1b: {  	s9 =	sadd.s32 $0xFFFFFEF7, lr;
	s5 =	simm.s32 $0xFFFFFFFF;
	p2 =	slt.u32 s8, $0xFFFFF086  }
0x1c: {  	p1 =	slt.u32 s9, $0xF7A;
	s5 =	simm.s32 @!p2 $0x0  }
0x1d: {  	s5 =	simm.s32 @p1 $0x1;
	p0 =	seq.s32 s7, s2  }
0x1e: {  	s7 =	smul.u32 @!p0 $0xF7A, s2;
	p2 =	seq.s32 @!p0 s5, $0x0  }
0x1f: {  	s9 =	smul.u32 $0xF7A, s1;
	s8 =	simm.s32 @!p0 $0x1BF5;
	p2 =	por !p2, p0  }
0x20: {  	[sflag:s8] =	ssyncset.s32 @!p0 $0xFFFFF086;
	s6 =	sadd.s32 @!p0 s3, s7;
	s7 =	simm.s32 @!p0 $0x108  }
0x21: {  	s3 =	sadd.s32 s3, s9;
	s6 =	sadd.s32 @!p0 $0x88, s6;
	s7 =	simm.s32 @p2 $0x1082  }
0x22: {  	[simem:s7], [sflag:s8] =	dma.local @!p0 [hbm:s6], $0xF7A  }
0x23: {  	s9 =	sor.u32 $0xD0000000, s2;
	s6 =	simm.s32 $0x108;
	_ =	swait.ge @!p0 [sflag:s8], $0x0  }
0x24: {  	s3 =	sadd.s32 $0x88, s3;
	s6 =	simm.s32 @!p1 $0x1082;
	[sflag:s4] =	ssyncset.s32 $0xFFFFF086  }
0x25: {  	[simem:s6], [sflag:s4] =	dma.local [hbm:s3], $0xF7A  }
0x26: {  	[smem:$0x3F9F] =	sst s1;
	(tag) =	ssettag s2;
	_ =	strace s9  }
0x27: {  	s1 =	sld [smem:$0x3FAF]  }
0x28: {  	s2 =	sld [smem:$0x3FB0]  }
0x29: {  	s4 =	sld [smem:$0x3FB2]  }
0x2a: {  	p0 =	seq.s32 s5, $0x0;
	s5 =	sld [smem:$0x3FB3]  }
0x2b: {  	s6 =	sld [smem:$0x3FB4]  }
0x2c: {  	s7 =	sld [smem:$0x3FB5]  }
0x2d: {  	s3 =	simm.s32 $0x108;
	s8 =	sld [smem:$0x3FB6]  }
0x2e: {  	s3 =	simm.s32 @!p0 $0x1082;
	s9 =	sld [smem:$0x3FB7]  }
0x2f: {  	lr =	sadd.s32 s0, s3;
	s0 =	sld [smem:$0x3FAE]  }
0x30: {  	s3 =	sld [smem:$0x3FB1]  }
0x31: {  	[smem:$0x3FBA] =	sst s10  }
0x32: {  	s10 =	sld [smem:$0x3FB8];
	_ =	sdelay $0x3  }
0x33: {  	p0 =	seq.s32 s10, $0x1;
	s10 =	sld [smem:$0x3FBA];
	_ =	sdelay $0x3  }
0x34: {  	[smem:$0x3FBA] =	sst s10  }
0x35: {  	s10 =	sld [smem:$0x3FB9];
	_ =	sdelay $0x3  }
0x36: {  	p1 =	seq.s32 s10, $0x1;
	s10 =	sld [smem:$0x3FBA];
	_ =	sdelay $0x3  }
0x37: {  	[smem:$0x3FBA] =	sst s10  }
0x38: {  	s10 =	sld [smem:$0x3FBB]  }
0x39: {  	_ = 	snop;
	(pc) =	sbr.ind lr, $3  }
0x3a: {  	_ = 	snop  }
0x3b: {  	_ = 	snop  }
0x3c: {  	p2 =	seq.s32 s10, $0x1;
	s10 =	sld [smem:$0x3FBA]  }
0x3d: {  	_ =	shalt  }
0x3e: {  	_ =	shalt  }
0x3f: {  	_ =	shalt  }
0x40: {  	_ =	shalt  }
0x41: {  	_ =	shalt  }
0x42: {  	_ =	shalt  }
0x43: {  	_ =	shalt  }
0x44: {  	_ =	shalt  }
0x45: {  	_ =	shalt  }
0x46: {  	_ =	shalt  }
0x47: {  	_ =	shalt  }
0x48: {  	_ =	shalt  }
0x49: {  	_ =	shalt  }
0x4a: {  	_ =	shalt  }
0x4b: {  	_ =	shalt  }
0x4c: {  	_ =	shalt  }
0x4d: {  	_ =	shalt  }
0x4e: {  	_ =	shalt  }
0x4f: {  	_ =	shalt  }
0x50: {  	_ =	shalt  }
0x51: {  	_ =	shalt  }
0x52: {  	_ =	shalt  }
0x53: {  	_ =	shalt  }
0x54: {  	_ =	shalt  }
0x55: {  	_ =	shalt  }
0x56: {  	_ =	shalt  }
0x57: {  	_ =	shalt  }
0x58: {  	_ =	shalt  }
0x59: {  	_ =	shalt  }
0x5a: {  	_ =	shalt  }
0x5b: {  	_ =	shalt  }
0x5c: {  	_ =	shalt  }
0x5d: {  	_ =	shalt  }
0x5e: {  	_ =	shalt  }
0x5f: {  	_ =	shalt  }
0x60: {  	_ =	shalt  }
0x61: {  	_ =	shalt  }
0x62: {  	_ =	shalt  }
0x63: {  	_ =	shalt  }
0x64: {  	_ =	shalt  }
0x65: {  	_ =	shalt  }
0x66: {  	_ =	shalt  }
0x67: {  	_ =	shalt  }
0x68: {  	_ =	shalt  }
0x69: {  	_ =	shalt  }
0x6a: {  	_ =	shalt  }
0x6b: {  	_ =	shalt  }
0x6c: {  	_ =	shalt  }
0x6d: {  	_ =	shalt  }
0x6e: {  	_ =	shalt  }
0x6f: {  	_ =	shalt  }
0x70: {  	_ =	shalt  }
0x71: {  	_ =	shalt  }
0x72: {  	_ =	shalt  }
0x73: {  	_ =	shalt  }
0x74: {  	_ =	shalt  }
0x75: {  	_ =	shalt  }
0x76: {  	_ =	shalt  }
0x77: {  	_ =	shalt  }
0x78: {  	_ =	shalt  }
0x79: {  	_ =	shalt  }
0x7a: {  	_ =	shalt  }
0x7b: {  	_ =	shalt  }
0x7c: {  	_ =	shalt  }
0x7d: {  	_ =	shalt  }
0x7e: {  	_ =	shalt  }
0x7f: {  	_ =	shalt  }
0x80: {  	_ =	shalt  }
0x81: {  	_ =	shalt  }
0x82: {  	_ =	shalt  }
0x83: {  	_ =	shalt  }
0x84: {  	_ =	shalt  }
0x85: {  	_ =	shalt  }
0x86: {  	_ =	shalt  }
0x87: {  	_ =	shalt  }
.Lfunc_end0:
.L_simem_size_0:
called_computation_lowered:
.L_overlay_start_0:
0x88: {  	s2 =	sld [smem:$0x3FD9]  }
0x89: {  	s3 =	sld [smem:$0x3FFE];
	_ =	sdelay $0x1  }
0x8a: {  	s1 =	srdreg.scid  }
0x8b: {  	s0 =	sand.u32 $0x1, s1  }
0x8c: {  	s17 =	sshll.u32 s0, $0xA;
	s2 =	sadd.s32 s3, s2  }
0x8d: {  	s2 =	sadd.s32 s2, s17  }
0x8e: {  	[smem:$0x3FC6] =	sst s2  }
0x8f: {  	_ = 	snop  }
0x90: {  	s2 =	sld [smem:$0x3FC8]  }
0x91: {  	s18 =	sld [smem:$0x3FD0];
	(tm) =	ssettm $0x1  }
0x92: {  	s4 =	sld [smem:$0x3FFB];
	_ =	sdelay $0x3  }
0x93: {  	_ =	strace s4  }
0x94: {  	s4 =	sld [smem:$0x3FFC];
	_ =	sdelay $0x3  }
0x95: {  	_ =	strace s4  }
0x96: {  	s4 =	sld [smem:$0x3FFD];
	_ =	sdelay $0x3  }
0x97: {  	_ =	strace s4  }
0x98: {  	_ =	strace $0x8FFFFFFF  }
0x99: {  	s19 =	sld [smem:$0x3FDB];
	_ =	sdelay $0x1  }
0x9a: {  	s5 =	simm.s32 $_scs_section_size  }
0x9b: {  	s6 =	simm.s32 $_size__tile_overlayer_lowered;
	s7 =	simm.s32 $_tile_overlayer_lowered  }
0x9c: {  	s22 =	simm.s32 $0x1BFF;
	s21 =	sshll.u32 s7, $0x1;
	s4 =	sadd.s32 s5, s19  }
0x9d: {  	s8 =	simm.s32 $0x0;
	s20 =	sshll.u32 s6, $0x1;
	s6 =	sadd.s32 s21, s4  }
0x9e: {  	[timem:s8], [sflag:s22] =	dma.local [hbm:s6], s20  }
0x9f: {  	_ =	swait.ge [sflag:s22], s20  }
0xa0: {  	s5 =	ssub.s32 $0x0, s20;
	[sflag:s22] =	ssyncset.done $0x0  }
0xa1: {  	[sflag:s22] =	ssyncadd.s32 s5;
	_ =	sdelay $0x1  }
0xa2: {  	s23 =	simm.s32 $0x1B8B  }
0xa3: {  	_ =	swait.ge [sflag:s23], $0x1  }
0xa4: {  	[sflag:s23] =	ssyncset.done $0x0  }
0xa5: {  	s25 =	simm.s32 $0x1B8E;
	s24 =	sld [smem:$0x3FFE];
	[sflag:s23] =	ssyncadd.s32 $0xFFFFFFFF  }
0xa6: {  	s26 =	simm.s32 $execute0_lowered;
	[smem:$0x3FD2] =	sst s25  }
0xa7: {  	s6 =	sshll.u32 s26, $0x1;
	_ =	strace $0x80000046;
	[dreg:$0x1] =	wrdreg $0xFFFFFFFF  }
0xa8: {  	s28 =	simm.s32 $_size_execute0_lowered;
	s4 =	sadd.s32 s4, s6;
	[dreg:$0x0] =	wrdreg $0x0  }
0xa9: {  	s6 =	sshll.u32 s28, $0x1;
	[dreg:$0x2] =	wrdreg s4  }
0xaa: {  	[dreg:$0x3] =	wrdreg s6  }
0xab: {  	[dreg:$0x4] =	wrdreg $0xC0  }
0xac: {  	_ =	task [dreg:s8], $0x5FFFF  }
0xad: {  	[dreg:$0x1] =	wrdreg $0xFFFFFFFF  }
0xae: {  	[dreg:$0x0] =	wrdreg $0x60  }
0xaf: {  	[dreg:$0x2] =	wrdreg s24  }
0xb0: {  	[dreg:$0x3] =	wrdreg s2  }
0xb1: {  	[dreg:$0x4] =	wrdreg s18  }
0xb2: {  	[dreg:$0x5] =	wrdreg $0x9  }
0xb3: {  	_ =	task.clear_ibuf [dreg:s8], $0x6FFFF;
	_ =	strace $0x90000046  }
0xb4: {  	s29 =	simm.s32 $0x9;
	_ =	strace $0x80000048  }
0xb5: {  	_ =	swait.ge [sflag:s29], $0x1  }
0xb6: {  	[sflag:s29] =	ssyncadd.s32 $0xFFFFFFFF  }
0xb7: {  	_ =	strace $0x90000048  }
0xb8: {  	_ =	sfence  }
0xb9: {  	s30 =	sld [smem:$0x0];
	_ =	sdelay $0x2  }
0xba: {  	s31 =	sshll.u32 s1, $0xD;
	s1 =	sshrl.u32 s1, $0x2  }
0xbb: {  	s3 =	sand.u32 $0x4000, s31;
	s1 =	sadd.s32 s1, s30  }
0xbc: {  	s0 =	sor.u32 s3, s0;
	s1 =	sshll.u32 s1, $0x11  }
0xbd: {  	s0 =	sor.u32 s1, s0  }
0xbe: {  	s0 =	sadd.s32 $0x8F2B, s0  }
0xbf: {  	[sflag:s0] =	ssyncadd.remote.s32 $0x1  }
0xc0: {  	_ =	sfence.sel $0xFFFF  }
0xc1: {  	[dreg:$0x0] =	wrdreg $0xFFFFFFFF;
	(pc) =	sbr.abs _section_cstart, $3  }
0xc2: {  	[dreg:$0x1] =	wrdreg $0xFFFFFFFF  }
0xc3: {  	_ =	task.clear_ibuf [dreg:s8], $0x2FFFF;
	_ =	strace $0x9FFFFFFF  }
0xc4: {  	(tm) =	ssettm $0x7FFFFFFF  }
0xc5: {  	_ =	shalt  }
tec
execute0_lowered:
.L_overlay_start_1:
0x0: {  	(tag) =	ssettag $0x1  }
0x1: {  	s0 =	rddreg [dreg:$0x0]  }
0x2: {  	s2 =	rddreg [dreg:$0x2];
	s4 =	simm.s32 $0x0  }
0x3: {  	[smem:$0x7FF] =	sst s4;
	s3 =	sadd.s32 $0x10, s2  }
0x4: {  	s13 =	sadd.s32 $0x20, s2;
	_ =	strace $0x80000047;
	[dreg:$0x4] =	wrdreg s3  }
0x5: {  	s14 =	sadd.s32 $0x30, s2;
	[dreg:$0x5] =	wrdreg s13  }
0x6: {  	s15 =	sadd.s32 $0x40, s2;
	[dreg:$0x6] =	wrdreg s14  }
0x7: {  	s16 =	sadd.s32 $0x50, s2;
	[dreg:$0x7] =	wrdreg s15  }
0x8: {  	s1 =	srdreg.scid;
	s17 =	sadd.s32 $0x60, s2;
	[dreg:$0x8] =	wrdreg s16  }
0x9: {  	s8 =	stileid.u32;
	s18 =	sadd.s32 $0x70, s2;
	[dreg:$0x9] =	wrdreg s17  }
0xa: {  	s1 =	sand.u32 $0x1, s1;
	s20 =	sadd.s32 $0x200, s2;
	[dreg:$0xa] =	wrdreg s18  }
0xb: {  	s5 =	sshll.u32 s8, $0x1;
	s21 =	sadd.s32 $0x210, s2;
	[dreg:$0xb] =	wrdreg s20  }
0xc: {  	s22 =	sadd.s32 $0x220, s2;
	s23 =	sadd.s32 $0x230, s2;
	[dreg:$0xc] =	wrdreg s21  }
0xd: {  	s24 =	smul.u32 $0x3200, s8;
	s25 =	sadd.s32 $0x240, s2;
	[dreg:$0xd] =	wrdreg s22  }
0xe: {  	s26 =	sadd.s32 $0x250, s2;
	s28 =	sadd.s32 $0x260, s2;
	[dreg:$0xe] =	wrdreg s23  }
0xf: {  	s30 =	smul.u32 $0xC8000, s8;
	s5 =	sor.u32 s1, s5;
	[dreg:$0xf] =	wrdreg s25  }
0x10: {  	s31 =	sadd.s32 $0x270, s2;
	[dreg:$0x10] =	wrdreg s26;
	s5 =	smul.u32 $0x1900, s5  }
0x11: {  	s19 =	ssub.s32 $0x2, s1;
	s7 =	smul.u32 $0x1900, s1;
	[dreg:$0x11] =	wrdreg s28  }
0x12: {  	s1 =	smul.u32 $0x64000, s1;
	[dreg:$0x12] =	wrdreg s31;
	s5 =	sshrl.u32 s5, $0x3  }
0x13: {  	s6 =	sshrl.u32 s19, $0x1;
	s29 =	sadd.s32 s7, s24;
	s0 =	sadd.s32 s5, s0  }
0x14: {  	s3 =	sshll.u32 s29, $0x6;
	s5 =	ssub.s32 s19, s6;
	s0 =	sadd.s32 $0x400, s0  }
0x15: {  	s3 =	sadd.s32 s3, s2;
	s5 =	smax.u32 s5, $0x1;
	[dreg:$0x1d] =	wrdreg s0  }
0x16: {  	s3 =	sadd.s32 $0x1000, s3;
	[dreg:$0x1e] =	wrdreg s5  }
0x17: {  	s0 =	sadd.s32 s1, s30;
	[dreg:$0x13] =	wrdreg s3  }
0x18: {  	s1 =	simm.s32 $0x0;
	[dreg:$0x1f] =	wrdreg s0  }
.LBB2_1:
0x19: {  	[smem:$0x7FD] =	sst s1  }
0x1a: {  	s0 =	rddreg [dreg:$0x1d];
	s23 =	simm.s32 $0x2  }
0x1b: {  	[tilespmem:s4], [sflag:$0x2] =	stream.linear.gather [hbm4b:s0+s4], $0x1900, $0x38;
	[tilespmem:$0x4900] =	vst v63  }
0x1c: {  	_ =	swait.ge [sflag:s23], $0x1900  }
0x1d: {  	[sflag:s23] =	ssyncset.done $0x0  }
0x1e: {  	[sflag:s23] =	ssyncadd.s32 $0xFFFFE700  }
0x1f: {  	s3 =	simm.s32 $0x1900;
	s24 =	rddreg [dreg:$0x1]  }
0x20: {  	[tilespmem:s3], [sflag:$0x2] =	stream.linear.gather [hbm4b:s24+s4], $0x3000, $0x38;
	[tilespmem:$0x4900] =	vst v63  }
0x21: {  	_ =	swait.ge [sflag:s23], $0x3000  }
0x22: {  	[sflag:s23] =	ssyncset.done $0x0  }
0x23: {  	s25 =	simm.s32 $0x0;
	[sflag:s23] =	ssyncadd.s32 $0xFFFFD000  }
0x24: {  	v0 =	vld [tilespmem:s25+$0x0];
	_ =	sdelay $0x4  }
0x25: {  	(v2sf) =	vpush v0, $0x0;
	_ =	sdelay $0x1  }
0x26: {  	(v2sf) =	vpush v0, $0x1  }
0x27: {  	(v2sf) =	vpush v0, $0x2;
	_ =	sdelay $0x7  }
0x28: {  	s14 =	rddreg [dreg:$0xf]  }
0x29: {  	s10 =	rddreg [dreg:$0x1f]  }
0x2a: {  	s0 =	rddreg [dreg:$0x7];
	s13 =	sand.u32 $0x1FFFCC00, s10  }
0x2b: {  	s15 =	simm.s32 $0x40;
	s5 =	rddreg [dreg:$0x5];
	s6 =	sadd.s32 s2, s13  }
0x2c: {  	s25 =	sadd.s32 s13, s5;
	s0 =	sadd.s32 s13, s0;
	s26 =	spop (v2sf)  }
0x2d: {  	s29 =	sadd.s32 $0x80, s6;
	s7 =	sadd.s32 $0x100, s6;
	s1 =	sshll.u32 s26, $0x7  }
0x2e: {  	s28 =	sshll.u32 s26, $0x9;
	s30 =	spop (v2sf);
	s1 =	sand.u32 $0x380, s1  }
0x2f: {  	s3 =	sand.u32 $0xFFFFF000, s28;
	s31 =	sshll.u32 s30, $0x7;
	s11 =	spop (v2sf)  }
0x30: {  	s1 =	sor.u32 s1, s3;
	s3 =	sand.u32 $0x380, s31;
	s16 =	sshll.u32 s11, $0x9  }
0x31: {  	(v2sf) =	vpush v0, $0x4;
	s18 =	sshll.u32 s11, $0x7;
	s31 =	sadd.s32 $0x80, s25;
	s8 =	sadd.s32 $0x1900, s1  }
0x32: {  	(v2sf) =	vpush v0, $0x3;
	[hbm4b:s6+s4] =	stream.linear.scatter [tilespmem:s8], [sflag:$0x1], $0x80, $0x38;
	[tilespmem:$0x4900] =	vst v63  }
0x33: {  	s11 =	sadd.s32 $0x100, s25;
	s9 =	sadd.s32 $0x1D00, s1;
	s8 =	sshll.u32 s30, $0x9  }
0x34: {  	s2 =	sadd.s32 $0x2100, s1;
	s1 =	sadd.s32 $0x2500, s1;
	s8 =	sand.u32 $0xFFFFF000, s8  }
0x35: {  	[hbm4b:s29+s4] =	stream.linear.scatter [tilespmem:s9], [sflag:$0x1], $0x80, $0x38;
	[tilespmem:$0x4900] =	vst v63  }
0x36: {  	s6 =	sadd.s32 $0x180, s6;
	s9 =	rddreg [dreg:$0x4];
	s3 =	sor.u32 s3, s8  }
0x37: {  	s12 =	sadd.s32 s13, s9;
	s17 =	sadd.s32 $0x1900, s3;
	s20 =	sadd.s32 $0x1D00, s3  }
0x38: {  	[hbm4b:s7+s4] =	stream.linear.scatter [tilespmem:s2], [sflag:$0x1], $0x80, $0x38;
	[tilespmem:$0x4900] =	vst v63  }
0x39: {  	s23 =	sadd.s32 $0x2100, s3;
	s3 =	sadd.s32 $0x2500, s3;
	s19 =	sadd.s32 $0x80, s12  }
0x3a: {  	[hbm4b:s6+s4] =	stream.linear.scatter [tilespmem:s1], [sflag:$0x1], $0x80, $0x38;
	[tilespmem:$0x4900] =	vst v63  }
0x3b: {  	s7 =	sand.u32 $0x380, s18;
	s22 =	sadd.s32 $0x100, s12;
	s6 =	sand.u32 $0xFFFFF000, s16  }
0x3c: {  	s2 =	rddreg [dreg:$0x6];
	s1 =	sadd.s32 $0x180, s12;
	s6 =	sor.u32 s7, s6  }
0x3d: {  	[hbm4b:s12+s4] =	stream.linear.scatter [tilespmem:s17], [sflag:$0x1], $0x80, $0x38;
	[tilespmem:$0x4900] =	vst v63  }
0x3e: {  	s16 =	sadd.s32 s13, s2;
	s7 =	rddreg [dreg:$0xa];
	s26 =	sadd.s32 $0x1900, s6  }
0x3f: {  	[hbm4b:s19+s4] =	stream.linear.scatter [tilespmem:s20], [sflag:$0x1], $0x80, $0x38;
	[tilespmem:$0x4900] =	vst v63  }
0x40: {  	s30 =	sadd.s32 $0x1D00, s6;
	s9 =	sadd.s32 $0x2100, s6;
	s21 =	spop (v2sf)  }
0x41: {  	s6 =	sadd.s32 $0x2500, s6;
	(v2sf) =	vpush v0, $0x5;
	s20 =	sadd.s32 $0x80, s16;
	s24 =	spop (v2sf)  }
0x42: {  	[hbm4b:s22+s4] =	stream.linear.scatter [tilespmem:s23], [sflag:$0x1], $0x80, $0x38;
	[tilespmem:$0x4900] =	vst v63  }
0x43: {  	s12 =	sshll.u32 s21, $0x9;
	(v2sf) =	vpush v0, $0x6;
	s28 =	sshll.u32 s24, $0x9;
	s29 =	sshll.u32 s24, $0x7  }
0x44: {  	[hbm4b:s1+s4] =	stream.linear.scatter [tilespmem:s3], [sflag:$0x1], $0x80, $0x38;
	[tilespmem:$0x4900] =	vst v63  }
0x45: {  	s18 =	sshll.u32 s21, $0x7;
	s5 =	sand.u32 $0xFFFFF000, s28;
	s3 =	sand.u32 $0x380, s29  }
0x46: {  	[hbm4b:s25+s4] =	stream.linear.scatter [tilespmem:s26], [sflag:$0x1], $0x80, $0x38;
	[tilespmem:$0x4900] =	vst v63  }
0x47: {  	s21 =	sadd.s32 $0x100, s16;
	s23 =	rddreg [dreg:$0x8];
	s3 =	sor.u32 s3, s5  }
0x48: {  	(v2sf) =	vpush v0, $0x7;
	[hbm4b:s31+s4] =	stream.linear.scatter [tilespmem:s30], [sflag:$0x1], $0x80, $0x38;
	[tilespmem:$0x4900] =	vst v63  }
0x49: {  	s1 =	sadd.s32 $0x180, s25;
	s5 =	sand.u32 $0xFFFFF000, s12;
	s17 =	sadd.s32 $0x1900, s3  }
0x4a: {  	[hbm4b:s11+s4] =	stream.linear.scatter [tilespmem:s9], [sflag:$0x1], $0x80, $0x38;
	[tilespmem:$0x4900] =	vst v63  }
0x4b: {  	s19 =	sadd.s32 $0x1D00, s3;
	s22 =	sadd.s32 $0x2100, s3;
	s3 =	sadd.s32 $0x2500, s3  }
0x4c: {  	[hbm4b:s1+s4] =	stream.linear.scatter [tilespmem:s6], [sflag:$0x1], $0x80, $0x38;
	[tilespmem:$0x4900] =	vst v63  }
0x4d: {  	s25 =	rddreg [dreg:$0x9];
	s26 =	sadd.s32 $0x80, s0;
	s6 =	sand.u32 $0x380, s18  }
0x4e: {  	s30 =	sadd.s32 $0x100, s0;
	s1 =	sadd.s32 $0x180, s16;
	s5 =	sor.u32 s6, s5  }
0x4f: {  	[hbm4b:s16+s4] =	stream.linear.scatter [tilespmem:s17], [sflag:$0x1], $0x80, $0x38;
	[tilespmem:$0x4900] =	vst v63  }
0x50: {  	s24 =	sadd.s32 $0x1900, s5;
	s6 =	sadd.s32 $0x1D00, s5;
	s28 =	spop (v2sf)  }
0x51: {  	[hbm4b:s20+s4] =	stream.linear.scatter [tilespmem:s19], [sflag:$0x1], $0x80, $0x38;
	[tilespmem:$0x4900] =	vst v63  }
0x52: {  	s29 =	sadd.s32 $0x2100, s5;
	s31 =	sshll.u32 s28, $0x9;
	s2 =	spop (v2sf)  }
0x53: {  	s5 =	sadd.s32 $0x2500, s5;
	s8 =	sand.u32 $0xFFFFF000, s31;
	s11 =	sshll.u32 s2, $0x9  }
0x54: {  	[hbm4b:s21+s4] =	stream.linear.scatter [tilespmem:s22], [sflag:$0x1], $0x80, $0x38;
	[tilespmem:$0x4900] =	vst v63  }
0x55: {  	s16 =	sshll.u32 s2, $0x7;
	s31 =	sadd.s32 s13, s7;
	s2 =	rddreg [dreg:$0xe]  }
0x56: {  	[hbm4b:s1+s4] =	stream.linear.scatter [tilespmem:s3], [sflag:$0x1], $0x80, $0x38;
	[tilespmem:$0x4900] =	vst v63  }
0x57: {  	(v2sf) =	vpush v0, $0x8;
	s12 =	sand.u32 $0xFFFFF000, s11;
	s22 =	spop (v2sf);
	s7 =	sadd.s32 $0x80, s31  }
0x58: {  	[hbm4b:s0+s4] =	stream.linear.scatter [tilespmem:s24], [sflag:$0x1], $0x80, $0x38;
	[tilespmem:$0x4900] =	vst v63  }
0x59: {  	(v2sf) =	vpush v0, $0x9;
	s1 =	sadd.s32 s13, s23;
	s3 =	sadd.s32 s13, s25;
	s23 =	sshll.u32 s22, $0x9  }
0x5a: {  	[hbm4b:s26+s4] =	stream.linear.scatter [tilespmem:s6], [sflag:$0x1], $0x80, $0x38;
	[tilespmem:$0x4900] =	vst v63  }
0x5b: {  	s19 =	sadd.s32 $0x80, s1;
	s21 =	sadd.s32 $0x100, s1;
	s6 =	sshll.u32 s28, $0x7  }
0x5c: {  	s0 =	sadd.s32 $0x180, s0;
	s26 =	sadd.s32 $0x80, s3;
	s6 =	sand.u32 $0x380, s6  }
0x5d: {  	[hbm4b:s30+s4] =	stream.linear.scatter [tilespmem:s29], [sflag:$0x1], $0x80, $0x38;
	[tilespmem:$0x4900] =	vst v63  }
0x5e: {  	s6 =	sor.u32 s6, s8;
	s29 =	sadd.s32 $0x100, s3;
	s30 =	rddreg [dreg:$0xc]  }
0x5f: {  	s17 =	sadd.s32 $0x1900, s6;
	s18 =	sadd.s32 $0x1D00, s6;
	s20 =	sadd.s32 $0x2100, s6  }
0x60: {  	[hbm4b:s0+s4] =	stream.linear.scatter [tilespmem:s5], [sflag:$0x1], $0x80, $0x38;
	[tilespmem:$0x4900] =	vst v63  }
0x61: {  	s6 =	sadd.s32 $0x2500, s6;
	s5 =	sand.u32 $0x380, s16;
	s16 =	sadd.s32 $0x100, s31  }
0x62: {  	[hbm4b:s1+s4] =	stream.linear.scatter [tilespmem:s17], [sflag:$0x1], $0x80, $0x38;
	[tilespmem:$0x4900] =	vst v63  }
0x63: {  	s0 =	sor.u32 s5, s12;
	s5 =	sshll.u32 s22, $0x7;
	s1 =	sadd.s32 $0x180, s1  }
0x64: {  	s24 =	sadd.s32 $0x1900, s0;
	s25 =	sadd.s32 $0x1D00, s0;
	s5 =	sand.u32 $0x380, s5  }
0x65: {  	(v2sf) =	vpush v0, $0xA;
	[hbm4b:s19+s4] =	stream.linear.scatter [tilespmem:s18], [sflag:$0x1], $0x80, $0x38;
	[tilespmem:$0x4900] =	vst v63  }
0x66: {  	s28 =	sadd.s32 $0x2100, s0;
	s0 =	sadd.s32 $0x2500, s0;
	s11 =	spop (v2sf)  }
0x67: {  	[hbm4b:s21+s4] =	stream.linear.scatter [tilespmem:s20], [sflag:$0x1], $0x80, $0x38;
	[tilespmem:$0x4900] =	vst v63  }
0x68: {  	s17 =	rddreg [dreg:$0xb];
	s18 =	sshll.u32 s11, $0x9;
	s20 =	spop (v2sf)  }
0x69: {  	[hbm4b:s1+s4] =	stream.linear.scatter [tilespmem:s6], [sflag:$0x1], $0x80, $0x38;
	[tilespmem:$0x4900] =	vst v63  }
0x6a: {  	s19 =	sadd.s32 s13, s17;
	s8 =	sand.u32 $0xFFFFF000, s18;
	s22 =	sshll.u32 s20, $0x9  }
0x6b: {  	[hbm4b:s3+s4] =	stream.linear.scatter [tilespmem:s24], [sflag:$0x1], $0x80, $0x38;
	[tilespmem:$0x4900] =	vst v63  }
0x6c: {  	s1 =	sand.u32 $0xFFFFF000, s23;
	s6 =	sshll.u32 s11, $0x7;
	s23 =	sadd.s32 $0x80, s19  }
0x6d: {  	[hbm4b:s26+s4] =	stream.linear.scatter [tilespmem:s25], [sflag:$0x1], $0x80, $0x38;
	[tilespmem:$0x4900] =	vst v63  }
0x6e: {  	(v2sf) =	vpush v0, $0xB;
	s1 =	sor.u32 s5, s1;
	s6 =	sand.u32 $0x380, s6;
	s3 =	sadd.s32 $0x180, s3  }
0x6f: {  	[hbm4b:s29+s4] =	stream.linear.scatter [tilespmem:s28], [sflag:$0x1], $0x80, $0x38;
	[tilespmem:$0x4900] =	vst v63  }
0x70: {  	s5 =	sadd.s32 $0x1900, s1;
	s9 =	sadd.s32 $0x1D00, s1;
	s6 =	sor.u32 s6, s8  }
0x71: {  	[hbm4b:s3+s4] =	stream.linear.scatter [tilespmem:s0], [sflag:$0x1], $0x80, $0x38;
	[tilespmem:$0x4900] =	vst v63  }
0x72: {  	s12 =	sadd.s32 $0x2100, s1;
	s1 =	sadd.s32 $0x2500, s1;
	s21 =	sadd.s32 $0x1900, s6  }
0x73: {  	[hbm4b:s31+s4] =	stream.linear.scatter [tilespmem:s5], [sflag:$0x1], $0x80, $0x38;
	[tilespmem:$0x4900] =	vst v63  }
0x74: {  	s8 =	sadd.s32 $0x1D00, s6;
	s24 =	sadd.s32 $0x2100, s6;
	s29 =	spop (v2sf)  }
0x75: {  	(v2sf) =	vpush v0, $0xC;
	[hbm4b:s7+s4] =	stream.linear.scatter [tilespmem:s9], [sflag:$0x1], $0x80, $0x38;
	[tilespmem:$0x4900] =	vst v63  }
0x76: {  	s6 =	sadd.s32 $0x2500, s6;
	s25 =	sadd.s32 $0x100, s19;
	s0 =	sadd.s32 s13, s30  }
0x77: {  	[hbm4b:s16+s4] =	stream.linear.scatter [tilespmem:s12], [sflag:$0x1], $0x80, $0x38;
	[tilespmem:$0x4900] =	vst v63  }
0x78: {  	s26 =	rddreg [dreg:$0xd];
	s3 =	sadd.s32 $0x180, s31;
	s30 =	sadd.s32 $0x80, s0  }
0x79: {  	[hbm4b:s3+s4] =	stream.linear.scatter [tilespmem:s1], [sflag:$0x1], $0x80, $0x38;
	[tilespmem:$0x4900] =	vst v63  }
0x7a: {  	s11 =	sadd.s32 $0x100, s0;
	s5 =	sadd.s32 s13, s2;
	s3 =	sshll.u32 s20, $0x7  }
0x7b: {  	s31 =	sshll.u32 s29, $0x9;
	s7 =	sand.u32 $0xFFFFF000, s22;
	s3 =	sand.u32 $0x380, s3  }
0x7c: {  	[hbm4b:s19+s4] =	stream.linear.scatter [tilespmem:s21], [sflag:$0x1], $0x80, $0x38;
	[tilespmem:$0x4900] =	vst v63  }
0x7d: {  	s9 =	sand.u32 $0xFFFFF000, s31;
	s12 =	spop (v2sf);
	s3 =	sor.u32 s3, s7  }
0x7e: {  	s16 =	sshll.u32 s12, $0x9;
	s1 =	sadd.s32 $0x180, s19;
	s28 =	sadd.s32 $0x1900, s3  }
0x7f: {  	[hbm4b:s23+s4] =	stream.linear.scatter [tilespmem:s8], [sflag:$0x1], $0x80, $0x38;
	[tilespmem:$0x4900] =	vst v63  }
0x80: {  	(v2sf) =	vpush v0, $0xD;
	s7 =	sadd.s32 $0x1D00, s3;
	s2 =	sadd.s32 $0x2100, s3;
	s8 =	sadd.s32 s13, s26  }
0x81: {  	[hbm4b:s25+s4] =	stream.linear.scatter [tilespmem:s24], [sflag:$0x1], $0x80, $0x38;
	[tilespmem:$0x4900] =	vst v63  }
0x82: {  	s3 =	sadd.s32 $0x2500, s3;
	s21 =	sadd.s32 $0x100, s8;
	s23 =	sadd.s32 $0x180, s8  }
0x83: {  	[hbm4b:s1+s4] =	stream.linear.scatter [tilespmem:s6], [sflag:$0x1], $0x80, $0x38;
	[tilespmem:$0x4900] =	vst v63  }
0x84: {  	s24 =	sadd.s32 $0x80, s5;
	s25 =	spop (v2sf);
	s6 =	sshll.u32 s29, $0x7  }
0x85: {  	s1 =	sadd.s32 s13, s14;
	s14 =	sadd.s32 $0x80, s8;
	s6 =	sand.u32 $0x380, s6  }
0x86: {  	[hbm4b:s0+s4] =	stream.linear.scatter [tilespmem:s28], [sflag:$0x1], $0x80, $0x38;
	[tilespmem:$0x4900] =	vst v63  }
0x87: {  	s6 =	sor.u32 s6, s9;
	s0 =	sadd.s32 $0x180, s0;
	s9 =	sshll.u32 s12, $0x7  }
0x88: {  	(v2sf) =	vpush v0, $0xE;
	s28 =	sshll.u32 s25, $0x9;
	s12 =	rddreg [dreg:$0x10];
	s17 =	sadd.s32 $0x1900, s6  }
0x89: {  	[hbm4b:s30+s4] =	stream.linear.scatter [tilespmem:s7], [sflag:$0x1], $0x80, $0x38;
	[tilespmem:$0x4900] =	vst v63  }
0x8a: {  	(v2sf) =	vpush v0, $0xF;
	s18 =	sadd.s32 $0x1D00, s6;
	s19 =	sand.u32 $0x380, s9;
	s20 =	sadd.s32 $0x2100, s6  }
0x8b: {  	[hbm4b:s11+s4] =	stream.linear.scatter [tilespmem:s2], [sflag:$0x1], $0x80, $0x38;
	[tilespmem:$0x4900] =	vst v63  }
0x8c: {  	s22 =	sadd.s32 $0x2500, s6;
	s9 =	sand.u32 $0xFFFFF000, s28;
	s7 =	sadd.s32 $0x80, s1  }
0x8d: {  	[hbm4b:s0+s4] =	stream.linear.scatter [tilespmem:s3], [sflag:$0x1], $0x80, $0x38;
	[tilespmem:$0x4900] =	vst v63  }
0x8e: {  	s30 =	sshll.u32 s25, $0x7;
	s2 =	sadd.s32 $0x100, s5;
	s3 =	sand.u32 $0xFFFFF000, s16  }
0x8f: {  	s11 =	spop (v2sf);
	s16 =	rddreg [dreg:$0x11];
	s0 =	sor.u32 s19, s3  }
0x90: {  	[hbm4b:s8+s4] =	stream.linear.scatter [tilespmem:s17], [sflag:$0x1], $0x80, $0x38;
	[tilespmem:$0x4900] =	vst v63  }
0x91: {  	s3 =	sand.u32 $0x380, s30;
	s26 =	sadd.s32 $0x1900, s0;
	s29 =	sadd.s32 $0x1D00, s0  }
0x92: {  	[hbm4b:s14+s4] =	stream.linear.scatter [tilespmem:s18], [sflag:$0x1], $0x80, $0x38;
	[tilespmem:$0x4900] =	vst v63  }
0x93: {  	s31 =	sadd.s32 $0x2100, s0;
	s3 =	sor.u32 s3, s9;
	s8 =	sshll.u32 s11, $0x7  }
0x94: {  	[hbm4b:s21+s4] =	stream.linear.scatter [tilespmem:s20], [sflag:$0x1], $0x80, $0x38;
	[tilespmem:$0x4900] =	vst v63  }
0x95: {  	s0 =	sadd.s32 $0x2500, s0;
	s19 =	sadd.s32 $0x1900, s3;
	s14 =	sshll.u32 s11, $0x9  }
0x96: {  	[hbm4b:s23+s4] =	stream.linear.scatter [tilespmem:s22], [sflag:$0x1], $0x80, $0x38;
	[tilespmem:$0x4900] =	vst v63  }
0x97: {  	s18 =	sand.u32 $0x380, s8;
	s17 =	sand.u32 $0xFFFFF000, s14;
	s20 =	spop (v2sf)  }
0x98: {  	[hbm4b:s5+s4] =	stream.linear.scatter [tilespmem:s26], [sflag:$0x1], $0x80, $0x38;
	[tilespmem:$0x4900] =	vst v63  }
0x99: {  	s14 =	simm.s32 $0x0;
	s21 =	sadd.s32 $0x1D00, s3;
	s25 =	spop (v2sf)  }
0x9a: {  	[hbm4b:s24+s4] =	stream.linear.scatter [tilespmem:s29], [sflag:$0x1], $0x80, $0x38;
	[tilespmem:$0x4900] =	vst v63  }
0x9b: {  	s22 =	sshll.u32 s20, $0x9;
	s23 =	sadd.s32 $0x2100, s3;
	s28 =	sshll.u32 s25, $0x9  }
0x9c: {  	[hbm4b:s2+s4] =	stream.linear.scatter [tilespmem:s31], [sflag:$0x1], $0x80, $0x38;
	[tilespmem:$0x4900] =	vst v63  }
0x9d: {  	s8 =	sshll.u32 s25, $0x7;
	s3 =	sadd.s32 $0x2500, s3;
	s5 =	sadd.s32 $0x180, s5  }
0x9e: {  	[hbm4b:s5+s4] =	stream.linear.scatter [tilespmem:s0], [sflag:$0x1], $0x80, $0x38;
	[tilespmem:$0x4900] =	vst v63  }
0x9f: {  	s30 =	sand.u32 $0x380, s8;
	s24 =	sadd.s32 $0x100, s1;
	s29 =	sand.u32 $0xFFFFF000, s28  }
0xa0: {  	[hbm4b:s1+s4] =	stream.linear.scatter [tilespmem:s19], [sflag:$0x1], $0x80, $0x38;
	[tilespmem:$0x4900] =	vst v63  }
0xa1: {  	s0 =	sor.u32 s18, s17;
	s5 =	sshll.u32 s20, $0x7;
	s17 =	sadd.s32 $0x400, s10  }
0xa2: {  	[hbm4b:s7+s4] =	stream.linear.scatter [tilespmem:s21], [sflag:$0x1], $0x80, $0x38;
	[tilespmem:$0x4900] =	vst v63  }
0xa3: {  	s26 =	sand.u32 $0x380, s5;
	s31 =	sadd.s32 $0x1900, s0;
	s5 =	sadd.s32 s13, s12  }
0xa4: {  	[hbm4b:s24+s4] =	stream.linear.scatter [tilespmem:s23], [sflag:$0x1], $0x80, $0x38;
	[tilespmem:$0x4900] =	vst v63  }
0xa5: {  	s6 =	sadd.s32 $0x1D00, s0;
	s1 =	sadd.s32 $0x180, s1;
	s7 =	sand.u32 $0xFFFFF000, s22  }
0xa6: {  	[hbm4b:s1+s4] =	stream.linear.scatter [tilespmem:s3], [sflag:$0x1], $0x80, $0x38;
	[tilespmem:$0x4900] =	vst v63  }
0xa7: {  	s3 =	sor.u32 s26, s7;
	s1 =	sor.u32 s30, s29;
	s7 =	sadd.s32 $0x80, s5  }
0xa8: {  	[hbm4b:s5+s4] =	stream.linear.scatter [tilespmem:s31], [sflag:$0x1], $0x80, $0x38;
	[tilespmem:$0x4900] =	vst v63  }
.LBB2_2:
0xa9: {  	[hbm4b:s7+s14] =	stream.linear.scatter [tilespmem:s6], [sflag:$0x1], $0x80, $0x38;
	[tilespmem:$0x4900] =	vst v63  }
0xaa: {  	s22 =	sadd.s32 $0x2100, s0;
	s8 =	sadd.s32 $0x100, s5  }
0xab: {  	[hbm4b:s8+s14] =	stream.linear.scatter [tilespmem:s22], [sflag:$0x1], $0x80, $0x38;
	[tilespmem:$0x4900] =	vst v63  }
0xac: {  	s23 =	sadd.s32 $0x2500, s0;
	s24 =	sadd.s32 $0x180, s5  }
0xad: {  	[hbm4b:s24+s14] =	stream.linear.scatter [tilespmem:s23], [sflag:$0x1], $0x80, $0x38;
	[tilespmem:$0x4900] =	vst v63  }
0xae: {  	s25 =	sadd.s32 $0x1900, s3;
	s26 =	sadd.s32 s13, s16  }
0xaf: {  	[hbm4b:s26+s14] =	stream.linear.scatter [tilespmem:s25], [sflag:$0x1], $0x80, $0x38;
	[tilespmem:$0x4900] =	vst v63  }
0xb0: {  	s28 =	sadd.s32 $0x1D00, s3;
	s29 =	sadd.s32 $0x80, s26  }
0xb1: {  	[hbm4b:s29+s14] =	stream.linear.scatter [tilespmem:s28], [sflag:$0x1], $0x80, $0x38;
	[tilespmem:$0x4900] =	vst v63  }
0xb2: {  	s30 =	sadd.s32 $0x2100, s3;
	s31 =	sadd.s32 $0x100, s26  }
0xb3: {  	[hbm4b:s31+s14] =	stream.linear.scatter [tilespmem:s30], [sflag:$0x1], $0x80, $0x38;
	[tilespmem:$0x4900] =	vst v63  }
0xb4: {  	s2 =	rddreg [dreg:$0x12];
	s3 =	sadd.s32 $0x2500, s3;
	s5 =	sadd.s32 $0x180, s26  }
0xb5: {  	[hbm4b:s5+s14] =	stream.linear.scatter [tilespmem:s3], [sflag:$0x1], $0x80, $0x38;
	[tilespmem:$0x4900] =	vst v63  }
0xb6: {  	s7 =	sadd.s32 $0x1900, s1;
	s8 =	sadd.s32 s13, s2  }
0xb7: {  	[hbm4b:s8+s14] =	stream.linear.scatter [tilespmem:s7], [sflag:$0x1], $0x80, $0x38;
	[tilespmem:$0x4900] =	vst v63  }
0xb8: {  	s21 =	smov.u32 s15;
	s9 =	sadd.s32 $0x1D00, s1;
	s10 =	sadd.s32 $0x80, s8  }
0xb9: {  	[hbm4b:s10+s14] =	stream.linear.scatter [tilespmem:s9], [sflag:$0x1], $0x80, $0x38;
	[tilespmem:$0x4900] =	vst v63  }
0xba: {  	s11 =	sadd.s32 $0x2100, s1;
	s16 =	sadd.s32 $0x2500, s1;
	s12 =	sadd.s32 $0x100, s8  }
0xbb: {  	[hbm4b:s12+s14] =	stream.linear.scatter [tilespmem:s11], [sflag:$0x1], $0x80, $0x38;
	[tilespmem:$0x4900] =	vst v63  }
0xbc: {  	s18 =	rddreg [dreg:$0xf];
	s13 =	sshra.s32 s21, $0x2;
	s3 =	sadd.s32 $0x180, s8  }
0xbd: {  	[hbm4b:s3+s14] =	stream.linear.scatter [tilespmem:s16], [sflag:$0x1], $0x80, $0x38;
	[tilespmem:$0x4900] =	vst v63  }
0xbe: {  	s19 =	rddreg [dreg:$0xc];
	v0 =	vld [tilespmem:s13+$0x0]  }
0xbf: {  	s20 =	rddreg [dreg:$0x7]  }
0xc0: {  	s21 =	rddreg [dreg:$0x6]  }
0xc1: {  	s22 =	rddreg [dreg:$0x5]  }
0xc2: {  	s23 =	rddreg [dreg:$0xe]  }
0xc3: {  	s24 =	rddreg [dreg:$0xb];
	(v2sf) =	vpush v0, $0x0  }
0xc4: {  	s26 =	rddreg [dreg:$0xd];
	(v2sf) =	vpush v0, $0x1  }
0xc5: {  	s28 =	rddreg [dreg:$0x2]  }
0xc6: {  	s31 =	rddreg [dreg:$0x9];
	(v2sf) =	vpush v0, $0x2  }
0xc7: {  	s9 =	rddreg [dreg:$0x8]  }
0xc8: {  	s11 =	rddreg [dreg:$0xa];
	(v2sf) =	vpush v0, $0x4  }
0xc9: {  	p0 =	sne.s32 s15, $0xC0;
	s15 =	sadd.s32 $0x40, s15;
	s12 =	rddreg [dreg:$0x4]  }
0xca: {  	s14 =	simm.s32 $0x0;
	s13 =	sand.u32 $0x1FFFCC00, s17;
	s17 =	sadd.s32 $0x400, s17;
	(v2sf) =	vpush v0, $0x3  }
0xcb: {  	s30 =	sadd.s32 s13, s21;
	s29 =	sadd.s32 s13, s20;
	s0 =	sadd.s32 s13, s22  }
0xcc: {  	s22 =	sadd.s32 s13, s19;
	s19 =	sadd.s32 s13, s23;
	s2 =	sadd.s32 s13, s18  }
0xcd: {  	s6 =	sadd.s32 s28, s13;
	s21 =	sadd.s32 s13, s26;
	s28 =	sadd.s32 s13, s9  }
0xce: {  	s26 =	sadd.s32 s13, s31;
	s8 =	sadd.s32 s13, s12;
	s12 =	rddreg [dreg:$0x11]  }
0xcf: {  	s25 =	sadd.s32 s13, s11;
	s24 =	sadd.s32 s13, s24;
	[dreg:$0x17] =	wrdreg s2  }
0xd0: {  	s5 =	sadd.s32 $0x80, s2;
	s1 =	sadd.s32 $0x80, s6;
	s3 =	sadd.s32 $0x180, s6  }
0xd1: {  	s10 =	sadd.s32 $0x80, s19;
	s16 =	sadd.s32 $0x80, s21;
	[dreg:$0x16] =	wrdreg s5  }
0xd2: {  	s5 =	sadd.s32 $0x100, s6;
	[dreg:$0x19] =	wrdreg s10;
	(v2sf) =	vpush v0, $0x5;
	s18 =	spop (v2sf)  }
0xd3: {  	[dreg:$0x1a] =	wrdreg s16;
	s7 =	sshll.u32 s18, $0x7;
	s23 =	spop (v2sf)  }
0xd4: {  	s20 =	sshll.u32 s18, $0x9;
	s7 =	sand.u32 $0x380, s7;
	s31 =	sshll.u32 s23, $0x7  }
0xd5: {  	s18 =	spop (v2sf);
	s9 =	sand.u32 $0xFFFFF000, s20;
	s11 =	sshll.u32 s23, $0x9  }
0xd6: {  	s31 =	sand.u32 $0x380, s31;
	s10 =	sshll.u32 s18, $0x9;
	s9 =	sor.u32 s7, s9  }
0xd7: {  	s2 =	sshll.u32 s18, $0x7;
	s16 =	spop (v2sf);
	s11 =	sand.u32 $0xFFFFF000, s11  }
0xd8: {  	s20 =	sand.u32 $0xFFFFF000, s10;
	s10 =	sadd.s32 $0x1900, s9;
	s2 =	sand.u32 $0x380, s2  }
0xd9: {  	s23 =	spop (v2sf);
	s18 =	sadd.s32 $0x1D00, s9;
	s11 =	sor.u32 s31, s11  }
0xda: {  	s7 =	sor.u32 s2, s20;
	s31 =	sshll.u32 s23, $0x9;
	s2 =	sshll.u32 s23, $0x7  }
0xdb: {  	[hbm4b:s6+s14] =	stream.linear.scatter [tilespmem:s10], [sflag:$0x1], $0x80, $0x38;
	[tilespmem:$0x4900] =	vst v63  }
0xdc: {  	s10 =	sadd.s32 $0x1900, s11;
	s23 =	sadd.s32 $0x80, s8;
	s6 =	sadd.s32 $0x2500, s9  }
0xdd: {  	(v2sf) =	vpush v0, $0x6;
	s20 =	sadd.s32 $0x1900, s7;
	s2 =	sand.u32 $0x380, s2;
	s31 =	sand.u32 $0xFFFFF000, s31  }
0xde: {  	[hbm4b:s1+s14] =	stream.linear.scatter [tilespmem:s18], [sflag:$0x1], $0x80, $0x38;
	[tilespmem:$0x4900] =	vst v63  }
0xdf: {  	s18 =	sadd.s32 $0x2100, s9;
	s2 =	sor.u32 s2, s31;
	s31 =	sshll.u32 s16, $0x9  }
0xe0: {  	[hbm4b:s5+s14] =	stream.linear.scatter [tilespmem:s18], [sflag:$0x1], $0x80, $0x38;
	[tilespmem:$0x4900] =	vst v63  }
0xe1: {  	s1 =	spop (v2sf);
	s9 =	sadd.s32 $0x100, s8;
	s5 =	sand.u32 $0xFFFFF000, s31  }
0xe2: {  	[hbm4b:s3+s14] =	stream.linear.scatter [tilespmem:s6], [sflag:$0x1], $0x80, $0x38;
	[tilespmem:$0x4900] =	vst v63  }
0xe3: {  	(v2sf) =	vpush v0, $0x7;
	s18 =	sshll.u32 s16, $0x7;
	s31 =	sshll.u32 s1, $0x9;
	s1 =	sshll.u32 s1, $0x7  }
0xe4: {  	[hbm4b:s8+s14] =	stream.linear.scatter [tilespmem:s10], [sflag:$0x1], $0x80, $0x38;
	[tilespmem:$0x4900] =	vst v63  }
0xe5: {  	s16 =	sadd.s32 $0x1D00, s7;
	s1 =	sand.u32 $0x380, s1;
	s10 =	sadd.s32 $0x1D00, s11  }
0xe6: {  	[hbm4b:s23+s14] =	stream.linear.scatter [tilespmem:s10], [sflag:$0x1], $0x80, $0x38;
	[tilespmem:$0x4900] =	vst v63  }
0xe7: {  	s3 =	sadd.s32 $0x180, s8;
	s6 =	sadd.s32 $0x2500, s2;
	s23 =	sadd.s32 $0x2100, s11  }
0xe8: {  	s10 =	sand.u32 $0x380, s18;
	s11 =	sadd.s32 $0x2500, s11;
	s18 =	sadd.s32 $0x80, s0  }
0xe9: {  	[hbm4b:s9+s14] =	stream.linear.scatter [tilespmem:s23], [sflag:$0x1], $0x80, $0x38;
	[tilespmem:$0x4900] =	vst v63  }
0xea: {  	s8 =	sor.u32 s10, s5;
	s5 =	sand.u32 $0xFFFFF000, s31;
	s23 =	sadd.s32 $0x100, s0  }
0xeb: {  	[hbm4b:s3+s14] =	stream.linear.scatter [tilespmem:s11], [sflag:$0x1], $0x80, $0x38;
	[tilespmem:$0x4900] =	vst v63  }
0xec: {  	s9 =	sadd.s32 $0x2500, s7;
	s5 =	sor.u32 s1, s5;
	s10 =	spop (v2sf)  }
0xed: {  	[hbm4b:s0+s14] =	stream.linear.scatter [tilespmem:s20], [sflag:$0x1], $0x80, $0x38;
	[tilespmem:$0x4900] =	vst v63  }
0xee: {  	s11 =	sadd.s32 $0x80, s29;
	s31 =	sshll.u32 s10, $0x9;
	s10 =	sshll.u32 s10, $0x7  }
0xef: {  	(v2sf) =	vpush v0, $0x8;
	[hbm4b:s18+s14] =	stream.linear.scatter [tilespmem:s16], [sflag:$0x1], $0x80, $0x38;
	[tilespmem:$0x4900] =	vst v63  }
0xf0: {  	s20 =	sadd.s32 $0x2100, s7;
	s0 =	sadd.s32 $0x180, s0;
	s7 =	sadd.s32 $0x100, s30  }
0xf1: {  	[hbm4b:s23+s14] =	stream.linear.scatter [tilespmem:s20], [sflag:$0x1], $0x80, $0x38;
	[tilespmem:$0x4900] =	vst v63  }
0xf2: {  	s10 =	sand.u32 $0x380, s10;
	s16 =	sadd.s32 $0x1900, s2;
	s18 =	spop (v2sf)  }
0xf3: {  	[hbm4b:s0+s14] =	stream.linear.scatter [tilespmem:s9], [sflag:$0x1], $0x80, $0x38;
	[tilespmem:$0x4900] =	vst v63  }
0xf4: {  	(v2sf) =	vpush v0, $0x9;
	s20 =	sand.u32 $0xFFFFF000, s31;
	s23 =	sadd.s32 $0x1D00, s2;
	s31 =	sadd.s32 $0x80, s30  }
0xf5: {  	[hbm4b:s30+s14] =	stream.linear.scatter [tilespmem:s16], [sflag:$0x1], $0x80, $0x38;
	[tilespmem:$0x4900] =	vst v63  }
0xf6: {  	s2 =	sadd.s32 $0x2100, s2;
	s3 =	sor.u32 s10, s20;
	s9 =	sshll.u32 s18, $0x7  }
0xf7: {  	[hbm4b:s31+s14] =	stream.linear.scatter [tilespmem:s23], [sflag:$0x1], $0x80, $0x38;
	[tilespmem:$0x4900] =	vst v63  }
0xf8: {  	(v2sf) =	vpush v0, $0xA;
	s20 =	sadd.s32 $0x180, s30;
	s10 =	sadd.s32 $0x1D00, s8;
	s9 =	sand.u32 $0x380, s9  }
0xf9: {  	[hbm4b:s7+s14] =	stream.linear.scatter [tilespmem:s2], [sflag:$0x1], $0x80, $0x38;
	[tilespmem:$0x4900] =	vst v63  }
0xfa: {  	s16 =	smov.u32 s12;
	s30 =	sadd.s32 $0x1900, s8;
	s23 =	sshll.u32 s18, $0x9  }
0xfb: {  	[hbm4b:s20+s14] =	stream.linear.scatter [tilespmem:s6], [sflag:$0x1], $0x80, $0x38;
	[tilespmem:$0x4900] =	vst v63  }
0xfc: {  	s12 =	sadd.s32 $0x2100, s8;
	s18 =	sadd.s32 $0x100, s29;
	s31 =	sand.u32 $0xFFFFF000, s23  }
0xfd: {  	[hbm4b:s29+s14] =	stream.linear.scatter [tilespmem:s30], [sflag:$0x1], $0x80, $0x38;
	[tilespmem:$0x4900] =	vst v63  }
0xfe: {  	s23 =	sadd.s32 $0x180, s29;
	s0 =	sor.u32 s9, s31;
	s29 =	spop (v2sf)  }
0xff: {  	s9 =	sadd.s32 $0x1900, s5;
	s20 =	sadd.s32 $0x2500, s8;
	s30 =	sshll.u32 s29, $0x9  }
0x100: {  	[hbm4b:s11+s14] =	stream.linear.scatter [tilespmem:s10], [sflag:$0x1], $0x80, $0x38;
	[tilespmem:$0x4900] =	vst v63  }
0x101: {  	s8 =	sadd.s32 $0x100, s25;
	s31 =	sshll.u32 s29, $0x7;
	s2 =	sand.u32 $0xFFFFF000, s30  }
0x102: {  	[hbm4b:s18+s14] =	stream.linear.scatter [tilespmem:s12], [sflag:$0x1], $0x80, $0x38;
	[tilespmem:$0x4900] =	vst v63  }
0x103: {  	s7 =	sand.u32 $0x380, s31;
	s10 =	spop (v2sf);
	s11 =	sadd.s32 $0x1D00, s5  }
0x104: {  	[hbm4b:s23+s14] =	stream.linear.scatter [tilespmem:s20], [sflag:$0x1], $0x80, $0x38;
	[tilespmem:$0x4900] =	vst v63  }
0x105: {  	s30 =	sadd.s32 $0x1900, s3;
	s1 =	sor.u32 s7, s2;
	s2 =	sshll.u32 s10, $0x7  }
0x106: {  	[hbm4b:s28+s14] =	stream.linear.scatter [tilespmem:s9], [sflag:$0x1], $0x80, $0x38;
	[tilespmem:$0x4900] =	vst v63  }
0x107: {  	s31 =	spop (v2sf);
	s7 =	sadd.s32 $0x2100, s0;
	s12 =	sadd.s32 $0x80, s28  }
0x108: {  	(v2sf) =	vpush v0, $0xB;
	[hbm4b:s12+s14] =	stream.linear.scatter [tilespmem:s11], [sflag:$0x1], $0x80, $0x38;
	[tilespmem:$0x4900] =	vst v63  }
0x109: {  	s18 =	sshll.u32 s10, $0x9;
	s20 =	sadd.s32 $0x2100, s5;
	s23 =	sadd.s32 $0x100, s28  }
0x10a: {  	[hbm4b:s23+s14] =	stream.linear.scatter [tilespmem:s20], [sflag:$0x1], $0x80, $0x38;
	[tilespmem:$0x4900] =	vst v63  }
0x10b: {  	s2 =	sand.u32 $0x380, s2;
	s5 =	sadd.s32 $0x2500, s5;
	s28 =	sadd.s32 $0x180, s28  }
0x10c: {  	[hbm4b:s28+s14] =	stream.linear.scatter [tilespmem:s5], [sflag:$0x1], $0x80, $0x38;
	[tilespmem:$0x4900] =	vst v63  }
0x10d: {  	s10 =	sadd.s32 $0x1D00, s3;
	s6 =	sshll.u32 s31, $0x7;
	s29 =	sand.u32 $0xFFFFF000, s18  }
0x10e: {  	[hbm4b:s26+s14] =	stream.linear.scatter [tilespmem:s30], [sflag:$0x1], $0x80, $0x38;
	[tilespmem:$0x4900] =	vst v63  }
0x10f: {  	s18 =	sadd.s32 $0x100, s26;
	s6 =	sand.u32 $0x380, s6;
	s11 =	sadd.s32 $0x80, s26  }
0x110: {  	[hbm4b:s11+s14] =	stream.linear.scatter [tilespmem:s10], [sflag:$0x1], $0x80, $0x38;
	[tilespmem:$0x4900] =	vst v63  }
0x111: {  	s12 =	sadd.s32 $0x2100, s3;
	s20 =	sshll.u32 s31, $0x9;
	s23 =	sadd.s32 $0x2500, s3  }
0x112: {  	[hbm4b:s18+s14] =	stream.linear.scatter [tilespmem:s12], [sflag:$0x1], $0x80, $0x38;
	[tilespmem:$0x4900] =	vst v63  }
0x113: {  	s5 =	sor.u32 s2, s29;
	s29 =	sand.u32 $0xFFFFF000, s20;
	s26 =	sadd.s32 $0x180, s26  }
0x114: {  	(v2sf) =	vpush v0, $0xC;
	[hbm4b:s26+s14] =	stream.linear.scatter [tilespmem:s23], [sflag:$0x1], $0x80, $0x38;
	[tilespmem:$0x4900] =	vst v63  }
0x115: {  	s31 =	sadd.s32 $0x80, s25;
	s28 =	sadd.s32 $0x1900, s0;
	s3 =	sor.u32 s6, s29  }
0x116: {  	[hbm4b:s25+s14] =	stream.linear.scatter [tilespmem:s28], [sflag:$0x1], $0x80, $0x38;
	[tilespmem:$0x4900] =	vst v63  }
0x117: {  	s29 =	sadd.s32 $0x2500, s1;
	s30 =	sadd.s32 $0x1D00, s0;
	s9 =	spop (v2sf)  }
0x118: {  	[hbm4b:s31+s14] =	stream.linear.scatter [tilespmem:s30], [sflag:$0x1], $0x80, $0x38;
	[tilespmem:$0x4900] =	vst v63  }
0x119: {  	s0 =	sadd.s32 $0x2500, s0;
	s10 =	sadd.s32 $0x180, s25;
	s20 =	sshll.u32 s9, $0x7  }
0x11a: {  	[hbm4b:s8+s14] =	stream.linear.scatter [tilespmem:s7], [sflag:$0x1], $0x80, $0x38;
	[tilespmem:$0x4900] =	vst v63  }
0x11b: {  	s11 =	sshll.u32 s9, $0x9;
	s9 =	sadd.s32 $0x80, s22;
	s6 =	sand.u32 $0x380, s20  }
0x11c: {  	[hbm4b:s10+s14] =	stream.linear.scatter [tilespmem:s0], [sflag:$0x1], $0x80, $0x38;
	[tilespmem:$0x4900] =	vst v63  }
0x11d: {  	s20 =	sadd.s32 $0x1900, s3;
	s12 =	sadd.s32 $0x1900, s1;
	s18 =	sand.u32 $0xFFFFF000, s11  }
0x11e: {  	(v2sf) =	vpush v0, $0xD;
	[hbm4b:s24+s14] =	stream.linear.scatter [tilespmem:s12], [sflag:$0x1], $0x80, $0x38;
	[tilespmem:$0x4900] =	vst v63  }
0x11f: {  	s11 =	sadd.s32 $0x100, s22;
	s23 =	sadd.s32 $0x1D00, s1;
	s25 =	sadd.s32 $0x80, s24  }
0x120: {  	[hbm4b:s25+s14] =	stream.linear.scatter [tilespmem:s23], [sflag:$0x1], $0x80, $0x38;
	[tilespmem:$0x4900] =	vst v63  }
0x121: {  	s6 =	sor.u32 s6, s18;
	s26 =	sadd.s32 $0x2100, s1;
	s28 =	sadd.s32 $0x100, s24  }
0x122: {  	[hbm4b:s28+s14] =	stream.linear.scatter [tilespmem:s26], [sflag:$0x1], $0x80, $0x38;
	[tilespmem:$0x4900] =	vst v63  }
0x123: {  	s18 =	sadd.s32 $0x180, s22;
	s30 =	sadd.s32 $0x180, s24;
	s31 =	spop (v2sf)  }
0x124: {  	(v2sf) =	vpush v0, $0xE;
	[hbm4b:s30+s14] =	stream.linear.scatter [tilespmem:s29], [sflag:$0x1], $0x80, $0x38;
	[tilespmem:$0x4900] =	vst v63  }
0x125: {  	s1 =	sadd.s32 $0x1900, s5;
	s2 =	sshll.u32 s31, $0x7;
	s7 =	sshll.u32 s31, $0x9  }
0x126: {  	[hbm4b:s22+s14] =	stream.linear.scatter [tilespmem:s1], [sflag:$0x1], $0x80, $0x38;
	[tilespmem:$0x4900] =	vst v63  }
0x127: {  	s8 =	sadd.s32 $0x1D00, s5;
	s2 =	sand.u32 $0x380, s2;
	s31 =	sadd.s32 $0x1900, s6  }
0x128: {  	[hbm4b:s9+s14] =	stream.linear.scatter [tilespmem:s8], [sflag:$0x1], $0x80, $0x38;
	[tilespmem:$0x4900] =	vst v63  }
0x129: {  	s10 =	sadd.s32 $0x2100, s5;
	s12 =	sadd.s32 $0x2500, s5;
	s23 =	sadd.s32 $0x1D00, s3  }
0x12a: {  	[hbm4b:s11+s14] =	stream.linear.scatter [tilespmem:s10], [sflag:$0x1], $0x80, $0x38;
	[tilespmem:$0x4900] =	vst v63  }
0x12b: {  	s25 =	rddreg [dreg:$0x1a];
	s26 =	sadd.s32 $0x2100, s3;
	s28 =	sadd.s32 $0x100, s21  }
0x12c: {  	[hbm4b:s18+s14] =	stream.linear.scatter [tilespmem:s12], [sflag:$0x1], $0x80, $0x38;
	[tilespmem:$0x4900] =	vst v63  }
0x12d: {  	s29 =	sadd.s32 $0x2500, s3;
	s1 =	sand.u32 $0xFFFFF000, s7;
	s22 =	spop (v2sf)  }
0x12e: {  	[hbm4b:s21+s14] =	stream.linear.scatter [tilespmem:s20], [sflag:$0x1], $0x80, $0x38;
	[tilespmem:$0x4900] =	vst v63  }
0x12f: {  	s5 =	sor.u32 s2, s1;
	s24 =	sshll.u32 s22, $0x9;
	s2 =	sshll.u32 s22, $0x7  }
0x130: {  	[hbm4b:s25+s14] =	stream.linear.scatter [tilespmem:s23], [sflag:$0x1], $0x80, $0x38;
	[tilespmem:$0x4900] =	vst v63  }
0x131: {  	s30 =	sadd.s32 $0x180, s21;
	s7 =	sand.u32 $0xFFFFF000, s24;
	s2 =	sand.u32 $0x380, s2  }
0x132: {  	(v2sf) =	vpush v0, $0xF;
	[hbm4b:s28+s14] =	stream.linear.scatter [tilespmem:s26], [sflag:$0x1], $0x80, $0x38;
	[tilespmem:$0x4900] =	vst v63  }
0x133: {  	s1 =	rddreg [dreg:$0x10];
	s0 =	sor.u32 s2, s7;
	s7 =	spop (v2sf)  }
0x134: {  	[hbm4b:s30+s14] =	stream.linear.scatter [tilespmem:s29], [sflag:$0x1], $0x80, $0x38;
	[tilespmem:$0x4900] =	vst v63  }
0x135: {  	s8 =	sadd.s32 $0x1D00, s6;
	s24 =	sadd.s32 $0x1D00, s5;
	s9 =	sshll.u32 s7, $0x9  }
0x136: {  	[hbm4b:s19+s14] =	stream.linear.scatter [tilespmem:s31], [sflag:$0x1], $0x80, $0x38;
	[tilespmem:$0x4900] =	vst v63  }
0x137: {  	s2 =	sshll.u32 s7, $0x7;
	s10 =	rddreg [dreg:$0x19];
	s11 =	sadd.s32 $0x2100, s6  }
0x138: {  	[hbm4b:s10+s14] =	stream.linear.scatter [tilespmem:s8], [sflag:$0x1], $0x80, $0x38;
	[tilespmem:$0x4900] =	vst v63  }
0x139: {  	s7 =	sand.u32 $0xFFFFF000, s9;
	s2 =	sand.u32 $0x380, s2;
	s12 =	sadd.s32 $0x100, s19  }
0x13a: {  	[hbm4b:s12+s14] =	stream.linear.scatter [tilespmem:s11], [sflag:$0x1], $0x80, $0x38;
	[tilespmem:$0x4900] =	vst v63  }
0x13b: {  	s18 =	sadd.s32 $0x2500, s6;
	s3 =	sor.u32 s2, s7;
	s20 =	sadd.s32 $0x180, s19  }
0x13c: {  	[hbm4b:s20+s14] =	stream.linear.scatter [tilespmem:s18], [sflag:$0x1], $0x80, $0x38;
	[tilespmem:$0x4900] =	vst v63  }
0x13d: {  	s6 =	sadd.s32 $0x1D00, s0;
	s21 =	sadd.s32 $0x1900, s5;
	s23 =	rddreg [dreg:$0x17]  }
0x13e: {  	[hbm4b:s23+s14] =	stream.linear.scatter [tilespmem:s21], [sflag:$0x1], $0x80, $0x38;
	[tilespmem:$0x4900] =	vst v63  }
0x13f: {  	s26 =	rddreg [dreg:$0x16];
	s28 =	sadd.s32 $0x2100, s5;
	s5 =	sadd.s32 $0x2500, s5  }
0x140: {  	[hbm4b:s26+s14] =	stream.linear.scatter [tilespmem:s24], [sflag:$0x1], $0x80, $0x38;
	[tilespmem:$0x4900] =	vst v63  }
0x141: {  	s29 =	sadd.s32 $0x100, s23;
	s30 =	sadd.s32 $0x180, s23;
	s22 =	spop (v2sf)  }
0x142: {  	[hbm4b:s29+s14] =	stream.linear.scatter [tilespmem:s28], [sflag:$0x1], $0x80, $0x38;
	[tilespmem:$0x4900] =	vst v63  }
.Ltmp0:
0x143: {  	s25 =	sshll.u32 s22, $0x9;
	s2 =	sshll.u32 s22, $0x7;
	(pc) =	sbr.rel @p0 .LBB2_2-.Ltmp0, $4  }
0x144: {  	[hbm4b:s30+s14] =	stream.linear.scatter [tilespmem:s5], [sflag:$0x1], $0x80, $0x38;
	[tilespmem:$0x4900] =	vst v63  }
0x145: {  	s7 =	sand.u32 $0xFFFFF000, s25;
	s2 =	sand.u32 $0x380, s2;
	s5 =	sadd.s32 s13, s1  }
0x146: {  	s31 =	sadd.s32 $0x1900, s0;
	s1 =	sor.u32 s2, s7;
	s7 =	sadd.s32 $0x80, s5  }
0x147: {  	[hbm4b:s5+s14] =	stream.linear.scatter [tilespmem:s31], [sflag:$0x1], $0x80, $0x38;
	[tilespmem:$0x4900] =	vst v63  }
0x148: {  	[hbm4b:s7+s14] =	stream.linear.scatter [tilespmem:s6], [sflag:$0x1], $0x80, $0x38;
	[tilespmem:$0x4900] =	vst v63  }
0x149: {  	s2 =	sadd.s32 $0x2100, s0;
	s20 =	sadd.s32 $0x100, s5  }
0x14a: {  	[hbm4b:s20+s14] =	stream.linear.scatter [tilespmem:s2], [sflag:$0x1], $0x80, $0x38;
	[tilespmem:$0x4900] =	vst v63  }
0x14b: {  	s21 =	sadd.s32 $0x2500, s0;
	s22 =	sadd.s32 $0x180, s5  }
0x14c: {  	[hbm4b:s22+s14] =	stream.linear.scatter [tilespmem:s21], [sflag:$0x1], $0x80, $0x38;
	[tilespmem:$0x4900] =	vst v63  }
0x14d: {  	s23 =	sadd.s32 $0x1900, s3;
	s24 =	sadd.s32 s13, s16  }
0x14e: {  	[hbm4b:s24+s14] =	stream.linear.scatter [tilespmem:s23], [sflag:$0x1], $0x80, $0x38;
	[tilespmem:$0x4900] =	vst v63  }
0x14f: {  	s25 =	sadd.s32 $0x1D00, s3;
	s26 =	sadd.s32 $0x80, s24  }
0x150: {  	[hbm4b:s26+s14] =	stream.linear.scatter [tilespmem:s25], [sflag:$0x1], $0x80, $0x38;
	[tilespmem:$0x4900] =	vst v63  }
0x151: {  	s28 =	sadd.s32 $0x2100, s3;
	s29 =	sadd.s32 $0x100, s24  }
0x152: {  	[hbm4b:s29+s14] =	stream.linear.scatter [tilespmem:s28], [sflag:$0x1], $0x80, $0x38;
	[tilespmem:$0x4900] =	vst v63  }
0x153: {  	s30 =	rddreg [dreg:$0x12];
	s31 =	sadd.s32 $0x2500, s3;
	s2 =	sadd.s32 $0x180, s24  }
0x154: {  	[hbm4b:s2+s14] =	stream.linear.scatter [tilespmem:s31], [sflag:$0x1], $0x80, $0x38;
	[tilespmem:$0x4900] =	vst v63  }
0x155: {  	s3 =	sadd.s32 $0x1900, s1;
	s0 =	sadd.s32 s13, s30  }
0x156: {  	[hbm4b:s0+s14] =	stream.linear.scatter [tilespmem:s3], [sflag:$0x1], $0x80, $0x38;
	[tilespmem:$0x4900] =	vst v63  }
0x157: {  	s5 =	sadd.s32 $0x1D00, s1;
	s6 =	sadd.s32 $0x80, s0  }
0x158: {  	[hbm4b:s6+s14] =	stream.linear.scatter [tilespmem:s5], [sflag:$0x1], $0x80, $0x38;
	[tilespmem:$0x4900] =	vst v63  }
0x159: {  	s7 =	sadd.s32 $0x2100, s1;
	s8 =	sadd.s32 $0x100, s0  }
0x15a: {  	[hbm4b:s8+s14] =	stream.linear.scatter [tilespmem:s7], [sflag:$0x1], $0x80, $0x38;
	[tilespmem:$0x4900] =	vst v63  }
0x15b: {  	s9 =	sadd.s32 $0x2500, s1;
	s0 =	sadd.s32 $0x180, s0;
	s6 =	simm.s32 $0x1  }
0x15c: {  	[hbm4b:s0+s14] =	stream.linear.scatter [tilespmem:s9], [sflag:$0x1], $0x80, $0x38;
	[tilespmem:$0x4900] =	vst v63  }
0x15d: {  	_ =	swait.ge [sflag:s6], $0x2000  }
0x15e: {  	[sflag:s6] =	ssyncset.done $0x0  }
0x15f: {  	s20 =	simm.s32 $0x40;
	[sflag:s6] =	ssyncadd.s32 $0xFFFFE000  }
0x160: {  	v0 =	vld [tilespmem:s20+$0x0];
	_ =	sdelay $0x4  }
0x161: {  	(v2sf) =	vpush v0, $0x1  }
0x162: {  	(v2sf) =	vpush v0, $0x0;
	_ =	sdelay $0x1  }
0x163: {  	(v2sf) =	vpush v0, $0x2;
	_ =	sdelay $0xb  }
0x164: {  	s10 =	spop (v2sf)  }
0x165: {  	s12 =	rddreg [dreg:$0x13];
	s11 =	spop (v2sf)  }
0x166: {  	s18 =	sshll.u32 s10, $0x9;
	s0 =	sshll.u32 s10, $0x7;
	s13 =	sshll.u32 s11, $0x9  }
0x167: {  	s1 =	sshll.u32 s11, $0x7;
	s19 =	spop (v2sf);
	s2 =	sand.u32 $0xFFFFF000, s18  }
0x168: {  	s0 =	sand.u32 $0x380, s0;
	s3 =	sand.u32 $0xFFFFF000, s13;
	s1 =	sand.u32 $0x380, s1  }
0x169: {  	s13 =	sadd.s32 $0x0, s12;
	s21 =	sshll.u32 s19, $0x9;
	s0 =	sor.u32 s0, s2  }
0x16a: {  	s23 =	sshll.u32 s19, $0x7;
	s1 =	sor.u32 s1, s3;
	s15 =	sadd.s32 $0x80, s13  }
0x16b: {  	(v2sf) =	vpush v0, $0x3;
	s17 =	sadd.s32 $0x100, s13;
	s22 =	sadd.s32 $0x180, s13;
	s24 =	sadd.s32 $0x1900, s0  }
0x16c: {  	s25 =	sadd.s32 $0x10, s13;
	s26 =	sand.u32 $0xFFFFF000, s21;
	s28 =	sadd.s32 $0x1D00, s0  }
0x16d: {  	(v2sf) =	vpush v0, $0x4;
	s29 =	sadd.s32 $0x90, s13;
	s30 =	sadd.s32 $0x2100, s0;
	s14 =	sadd.s32 $0x1900, s1  }
0x16e: {  	[hbm4b:s13+s4] =	stream.linear.scatter [tilespmem:s14], [sflag:$0x1], $0x80, $0x38;
	[tilespmem:$0x4900] =	vst v63  }
0x16f: {  	s31 =	sadd.s32 $0x110, s13;
	s5 =	sadd.s32 $0x190, s13;
	s3 =	sadd.s32 $0x1D00, s1  }
0x170: {  	[hbm4b:s15+s4] =	stream.linear.scatter [tilespmem:s3], [sflag:$0x1], $0x80, $0x38;
	[tilespmem:$0x4900] =	vst v63  }
0x171: {  	(v2sf) =	vpush v0, $0x5;
	s0 =	sadd.s32 $0x2500, s0;
	s8 =	sadd.s32 $0x20, s13;
	s16 =	sadd.s32 $0x2100, s1  }
0x172: {  	[hbm4b:s17+s4] =	stream.linear.scatter [tilespmem:s16], [sflag:$0x1], $0x80, $0x38;
	[tilespmem:$0x4900] =	vst v63  }
0x173: {  	s11 =	sadd.s32 $0xA0, s13;
	s12 =	sadd.s32 $0x120, s13;
	s1 =	sadd.s32 $0x2500, s1  }
0x174: {  	[hbm4b:s22+s4] =	stream.linear.scatter [tilespmem:s1], [sflag:$0x1], $0x80, $0x38;
	[tilespmem:$0x4900] =	vst v63  }
0x175: {  	s18 =	sadd.s32 $0x30, s13;
	s19 =	sadd.s32 $0xB0, s13;
	s1 =	sand.u32 $0x380, s23  }
0x176: {  	s16 =	sadd.s32 $0x1A0, s13;
	s22 =	sadd.s32 $0x130, s13;
	s1 =	sor.u32 s1, s26  }
0x177: {  	[hbm4b:s25+s4] =	stream.linear.scatter [tilespmem:s24], [sflag:$0x1], $0x80, $0x38;
	[tilespmem:$0x4900] =	vst v63  }
0x178: {  	s26 =	sadd.s32 $0x40, s13;
	s7 =	sadd.s32 $0x1900, s1;
	s10 =	sadd.s32 $0x1D00, s1  }
0x179: {  	[hbm4b:s29+s4] =	stream.linear.scatter [tilespmem:s28], [sflag:$0x1], $0x80, $0x38;
	[tilespmem:$0x4900] =	vst v63  }
0x17a: {  	s15 =	sadd.s32 $0x2100, s1;
	s1 =	sadd.s32 $0x2500, s1;
	s9 =	spop (v2sf)  }
0x17b: {  	[hbm4b:s31+s4] =	stream.linear.scatter [tilespmem:s30], [sflag:$0x1], $0x80, $0x38;
	[tilespmem:$0x4900] =	vst v63  }
0x17c: {  	s25 =	sadd.s32 $0x1B0, s13;
	s14 =	sshll.u32 s9, $0x9;
	s21 =	spop (v2sf);
	(v2sf) =	vpush v0, $0x6  }
0x17d: {  	[hbm4b:s5+s4] =	stream.linear.scatter [tilespmem:s0], [sflag:$0x1], $0x80, $0x38;
	[tilespmem:$0x4900] =	vst v63  }
0x17e: {  	s29 =	sadd.s32 $0xC0, s13;
	s3 =	sand.u32 $0xFFFFF000, s14;
	s23 =	sshll.u32 s21, $0x9  }
0x17f: {  	[hbm4b:s8+s4] =	stream.linear.scatter [tilespmem:s7], [sflag:$0x1], $0x80, $0x38;
	[tilespmem:$0x4900] =	vst v63  }
0x180: {  	s2 =	sshll.u32 s21, $0x7;
	s30 =	spop (v2sf);
	s0 =	sshll.u32 s9, $0x7  }
0x181: {  	[hbm4b:s11+s4] =	stream.linear.scatter [tilespmem:s10], [sflag:$0x1], $0x80, $0x38;
	[tilespmem:$0x4900] =	vst v63  }
0x182: {  	s31 =	sadd.s32 $0x140, s13;
	(v2sf) =	vpush v0, $0x7;
	s14 =	sadd.s32 $0xD0, s13;
	s0 =	sand.u32 $0x380, s0  }
0x183: {  	[hbm4b:s12+s4] =	stream.linear.scatter [tilespmem:s15], [sflag:$0x1], $0x80, $0x38;
	[tilespmem:$0x4900] =	vst v63  }
0x184: {  	s21 =	sadd.s32 $0x1D0, s13;
	s2 =	sand.u32 $0x380, s2;
	s0 =	sor.u32 s0, s3  }
0x185: {  	[hbm4b:s16+s4] =	stream.linear.scatter [tilespmem:s1], [sflag:$0x1], $0x80, $0x38;
	[tilespmem:$0x4900] =	vst v63  }
0x186: {  	s5 =	sshll.u32 s30, $0x9;
	s17 =	sadd.s32 $0x1900, s0;
	s3 =	sadd.s32 $0x1D00, s0  }
0x187: {  	[hbm4b:s18+s4] =	stream.linear.scatter [tilespmem:s17], [sflag:$0x1], $0x80, $0x38;
	[tilespmem:$0x4900] =	vst v63  }
0x188: {  	s24 =	sadd.s32 $0x2100, s0;
	s0 =	sadd.s32 $0x2500, s0;
	s10 =	sadd.s32 $0x1C0, s13  }
0x189: {  	[hbm4b:s19+s4] =	stream.linear.scatter [tilespmem:s3], [sflag:$0x1], $0x80, $0x38;
	[tilespmem:$0x4900] =	vst v63  }
0x18a: {  	s11 =	sadd.s32 $0x50, s13;
	s1 =	sshll.u32 s30, $0x7;
	s3 =	sand.u32 $0xFFFFF000, s23  }
0x18b: {  	s16 =	sadd.s32 $0x150, s13;
	s15 =	spop (v2sf);
	(v2sf) =	vpush v0, $0x8;
	s2 =	sor.u32 s2, s3  }
0x18c: {  	[hbm4b:s22+s4] =	stream.linear.scatter [tilespmem:s24], [sflag:$0x1], $0x80, $0x38;
	[tilespmem:$0x4900] =	vst v63  }
0x18d: {  	s1 =	sand.u32 $0x380, s1;
	s17 =	sshll.u32 s15, $0x9;
	s28 =	sadd.s32 $0x1900, s2  }
0x18e: {  	[hbm4b:s25+s4] =	stream.linear.scatter [tilespmem:s0], [sflag:$0x1], $0x80, $0x38;
	[tilespmem:$0x4900] =	vst v63  }
0x18f: {  	s3 =	sadd.s32 $0x1D00, s2;
	s7 =	sadd.s32 $0x2100, s2;
	s9 =	sadd.s32 $0x2500, s2  }
0x190: {  	[hbm4b:s26+s4] =	stream.linear.scatter [tilespmem:s28], [sflag:$0x1], $0x80, $0x38;
	[tilespmem:$0x4900] =	vst v63  }
0x191: {  	s2 =	sshll.u32 s15, $0x7;
	s22 =	sadd.s32 $0x60, s13;
	s25 =	spop (v2sf)  }
0x192: {  	(v2sf) =	vpush v0, $0x9;
	[hbm4b:s29+s4] =	stream.linear.scatter [tilespmem:s3], [sflag:$0x1], $0x80, $0x38;
	[tilespmem:$0x4900] =	vst v63  }
0x193: {  	s24 =	sadd.s32 $0xE0, s13;
	s2 =	sand.u32 $0x380, s2;
	s3 =	sand.u32 $0xFFFFF000, s5  }
0x194: {  	s26 =	sadd.s32 $0x160, s13;
	s28 =	sshll.u32 s25, $0x9;
	s8 =	sor.u32 s1, s3  }
0x195: {  	[hbm4b:s31+s4] =	stream.linear.scatter [tilespmem:s7], [sflag:$0x1], $0x80, $0x38;
	[tilespmem:$0x4900] =	vst v63  }
0x196: {  	s5 =	sadd.s32 $0x70, s13;
	s12 =	sadd.s32 $0x1900, s8;
	s3 =	sadd.s32 $0x1D00, s8  }
0x197: {  	[hbm4b:s10+s4] =	stream.linear.scatter [tilespmem:s9], [sflag:$0x1], $0x80, $0x38;
	[tilespmem:$0x4900] =	vst v63  }
0x198: {  	s18 =	sadd.s32 $0x2100, s8;
	s0 =	sadd.s32 $0x2500, s8;
	s31 =	sadd.s32 $0x1E0, s13  }
0x199: {  	[hbm4b:s11+s4] =	stream.linear.scatter [tilespmem:s12], [sflag:$0x1], $0x80, $0x38;
	[tilespmem:$0x4900] =	vst v63  }
0x19a: {  	s7 =	sadd.s32 $0xF0, s13;
	s9 =	sadd.s32 $0x170, s13;
	s8 =	spop (v2sf)  }
0x19b: {  	[hbm4b:s14+s4] =	stream.linear.scatter [tilespmem:s3], [sflag:$0x1], $0x80, $0x38;
	[tilespmem:$0x4900] =	vst v63  }
0x19c: {  	(v2sf) =	vpush v0, $0xA;
	s3 =	sand.u32 $0xFFFFF000, s17;
	s10 =	sshll.u32 s8, $0x9;
	s14 =	sadd.s32 $0x1F0, s13  }
0x19d: {  	s17 =	sadd.s32 $0x280, s13;
	s19 =	sor.u32 s2, s3;
	s2 =	sshll.u32 s25, $0x7  }
0x19e: {  	[hbm4b:s16+s4] =	stream.linear.scatter [tilespmem:s18], [sflag:$0x1], $0x80, $0x38;
	[tilespmem:$0x4900] =	vst v63  }
0x19f: {  	s23 =	sadd.s32 $0x1900, s19;
	s3 =	sadd.s32 $0x1D00, s19;
	s2 =	sand.u32 $0x380, s2  }
0x1a0: {  	[hbm4b:s21+s4] =	stream.linear.scatter [tilespmem:s0], [sflag:$0x1], $0x80, $0x38;
	[tilespmem:$0x4900] =	vst v63  }
0x1a1: {  	s29 =	sadd.s32 $0x2100, s19;
	s1 =	sadd.s32 $0x2500, s19;
	s18 =	spop (v2sf)  }
0x1a2: {  	[hbm4b:s22+s4] =	stream.linear.scatter [tilespmem:s23], [sflag:$0x1], $0x80, $0x38;
	[tilespmem:$0x4900] =	vst v63  }
0x1a3: {  	s16 =	sadd.s32 $0x200, s13;
	s19 =	sadd.s32 $0x300, s13;
	s21 =	sshll.u32 s18, $0x9  }
0x1a4: {  	[hbm4b:s24+s4] =	stream.linear.scatter [tilespmem:s3], [sflag:$0x1], $0x80, $0x38;
	[tilespmem:$0x4900] =	vst v63  }
0x1a5: {  	(v2sf) =	vpush v0, $0xB;
	s3 =	sand.u32 $0xFFFFF000, s28;
	s24 =	sadd.s32 $0x380, s13;
	s28 =	sadd.s32 $0x210, s13  }
0x1a6: {  	[hbm4b:s26+s4] =	stream.linear.scatter [tilespmem:s29], [sflag:$0x1], $0x80, $0x38;
	[tilespmem:$0x4900] =	vst v63  }
0x1a7: {  	s30 =	sor.u32 s2, s3;
	s2 =	sshll.u32 s8, $0x7;
	s8 =	sadd.s32 $0x390, s13  }
0x1a8: {  	[hbm4b:s31+s4] =	stream.linear.scatter [tilespmem:s1], [sflag:$0x1], $0x80, $0x38;
	[tilespmem:$0x4900] =	vst v63  }
0x1a9: {  	s3 =	sadd.s32 $0x1900, s30;
	s2 =	sand.u32 $0x380, s2;
	s11 =	sadd.s32 $0x2100, s30  }
0x1aa: {  	[hbm4b:s5+s4] =	stream.linear.scatter [tilespmem:s3], [sflag:$0x1], $0x80, $0x38;
	[tilespmem:$0x4900] =	vst v63  }
0x1ab: {  	s0 =	sadd.s32 $0x2500, s30;
	s3 =	sadd.s32 $0x1D00, s30;
	s25 =	spop (v2sf)  }
0x1ac: {  	[hbm4b:s7+s4] =	stream.linear.scatter [tilespmem:s3], [sflag:$0x1], $0x80, $0x38;
	[tilespmem:$0x4900] =	vst v63  }
0x1ad: {  	s29 =	sadd.s32 $0x290, s13;
	s30 =	sshll.u32 s25, $0x9;
	s3 =	sand.u32 $0xFFFFF000, s10  }
0x1ae: {  	s7 =	sadd.s32 $0x310, s13;
	s10 =	sadd.s32 $0x220, s13;
	s12 =	sor.u32 s2, s3  }
0x1af: {  	[hbm4b:s9+s4] =	stream.linear.scatter [tilespmem:s11], [sflag:$0x1], $0x80, $0x38;
	[tilespmem:$0x4900] =	vst v63  }
0x1b0: {  	(v2sf) =	vpush v0, $0xC;
	s2 =	sshll.u32 s18, $0x7;
	s18 =	sadd.s32 $0x3A0, s13;
	s15 =	sadd.s32 $0x1900, s12  }
0x1b1: {  	[hbm4b:s14+s4] =	stream.linear.scatter [tilespmem:s0], [sflag:$0x1], $0x80, $0x38;
	[tilespmem:$0x4900] =	vst v63  }
0x1b2: {  	s3 =	sadd.s32 $0x1D00, s12;
	s2 =	sand.u32 $0x380, s2;
	s22 =	sadd.s32 $0x2100, s12  }
0x1b3: {  	[hbm4b:s16+s4] =	stream.linear.scatter [tilespmem:s15], [sflag:$0x1], $0x80, $0x38;
	[tilespmem:$0x4900] =	vst v63  }
0x1b4: {  	s1 =	sadd.s32 $0x2500, s12;
	s11 =	spop (v2sf);
	s14 =	sadd.s32 $0x2A0, s13  }
0x1b5: {  	[hbm4b:s17+s4] =	stream.linear.scatter [tilespmem:s3], [sflag:$0x1], $0x80, $0x38;
	[tilespmem:$0x4900] =	vst v63  }
0x1b6: {  	s15 =	sadd.s32 $0x320, s13;
	s16 =	sshll.u32 s11, $0x9;
	s3 =	sand.u32 $0xFFFFF000, s21  }
0x1b7: {  	s21 =	sadd.s32 $0x230, s13;
	s23 =	sor.u32 s2, s3;
	s3 =	sand.u32 $0xFFFFF000, s30  }
0x1b8: {  	(v2sf) =	vpush v0, $0xD;
	[hbm4b:s19+s4] =	stream.linear.scatter [tilespmem:s22], [sflag:$0x1], $0x80, $0x38;
	[tilespmem:$0x4900] =	vst v63  }
0x1b9: {  	s30 =	sadd.s32 $0x240, s13;
	s26 =	sadd.s32 $0x1900, s23;
	s31 =	sadd.s32 $0x1D00, s23  }
0x1ba: {  	[hbm4b:s24+s4] =	stream.linear.scatter [tilespmem:s1], [sflag:$0x1], $0x80, $0x38;
	[tilespmem:$0x4900] =	vst v63  }
0x1bb: {  	s5 =	sadd.s32 $0x2100, s23;
	s0 =	sadd.s32 $0x2500, s23;
	s1 =	sshll.u32 s25, $0x7  }
0x1bc: {  	[hbm4b:s28+s4] =	stream.linear.scatter [tilespmem:s26], [sflag:$0x1], $0x80, $0x38;
	[tilespmem:$0x4900] =	vst v63  }
0x1bd: {  	s22 =	sadd.s32 $0x2B0, s13;
	s25 =	sadd.s32 $0x330, s13;
	s1 =	sand.u32 $0x380, s1  }
0x1be: {  	(v2sf) =	vpush v0, $0xE;
	[hbm4b:s29+s4] =	stream.linear.scatter [tilespmem:s31], [sflag:$0x1], $0x80, $0x38;
	[tilespmem:$0x4900] =	vst v63  }
0x1bf: {  	s19 =	spop (v2sf);
	s1 =	sor.u32 s1, s3;
	s3 =	sand.u32 $0xFFFFF000, s16  }
0x1c0: {  	[hbm4b:s7+s4] =	stream.linear.scatter [tilespmem:s5], [sflag:$0x1], $0x80, $0x38;
	[tilespmem:$0x4900] =	vst v63  }
0x1c1: {  	s23 =	sshll.u32 s19, $0x7;
	s28 =	sadd.s32 $0x3B0, s13;
	s16 =	sadd.s32 $0x250, s13  }
0x1c2: {  	[hbm4b:s8+s4] =	stream.linear.scatter [tilespmem:s0], [sflag:$0x1], $0x80, $0x38;
	[tilespmem:$0x4900] =	vst v63  }
0x1c3: {  	s9 =	sadd.s32 $0x1900, s1;
	s12 =	sadd.s32 $0x1D00, s1;
	s0 =	sshll.u32 s11, $0x7  }
0x1c4: {  	[hbm4b:s10+s4] =	stream.linear.scatter [tilespmem:s9], [sflag:$0x1], $0x80, $0x38;
	[tilespmem:$0x4900] =	vst v63  }
0x1c5: {  	s17 =	sadd.s32 $0x2100, s1;
	s1 =	sadd.s32 $0x2500, s1;
	s0 =	sand.u32 $0x380, s0  }
0x1c6: {  	[hbm4b:s14+s4] =	stream.linear.scatter [tilespmem:s12], [sflag:$0x1], $0x80, $0x38;
	[tilespmem:$0x4900] =	vst v63  }
0x1c7: {  	s31 =	spop (v2sf);
	s5 =	sadd.s32 $0x2C0, s13;
	s0 =	sor.u32 s0, s3  }
0x1c8: {  	(v2sf) =	vpush v0, $0xF;
	[hbm4b:s15+s4] =	stream.linear.scatter [tilespmem:s17], [sflag:$0x1], $0x80, $0x38;
	[tilespmem:$0x4900] =	vst v63  }
0x1c9: {  	s7 =	sadd.s32 $0x340, s13;
	s8 =	sshll.u32 s31, $0x9;
	s3 =	sadd.s32 $0x1900, s0  }
0x1ca: {  	[hbm4b:s18+s4] =	stream.linear.scatter [tilespmem:s1], [sflag:$0x1], $0x80, $0x38;
	[tilespmem:$0x4900] =	vst v63  }
0x1cb: {  	s24 =	sadd.s32 $0x1D00, s0;
	s26 =	sadd.s32 $0x2100, s0;
	s0 =	sadd.s32 $0x2500, s0  }
0x1cc: {  	[hbm4b:s21+s4] =	stream.linear.scatter [tilespmem:s3], [sflag:$0x1], $0x80, $0x38;
	[tilespmem:$0x4900] =	vst v63  }
0x1cd: {  	s12 =	sadd.s32 $0x3C0, s13;
	s14 =	spop (v2sf);
	s1 =	sshll.u32 s19, $0x9  }
0x1ce: {  	[hbm4b:s22+s4] =	stream.linear.scatter [tilespmem:s24], [sflag:$0x1], $0x80, $0x38;
	[tilespmem:$0x4900] =	vst v63  }
0x1cf: {  	s17 =	sshll.u32 s14, $0x9;
	s1 =	sand.u32 $0xFFFFF000, s1;
	s3 =	sand.u32 $0x380, s23  }
0x1d0: {  	[hbm4b:s25+s4] =	stream.linear.scatter [tilespmem:s26], [sflag:$0x1], $0x80, $0x38;
	[tilespmem:$0x4900] =	vst v63  }
0x1d1: {  	s19 =	sadd.s32 $0x2D0, s13;
	s23 =	sadd.s32 $0x3D0, s13;
	s1 =	sor.u32 s3, s1  }
0x1d2: {  	[hbm4b:s28+s4] =	stream.linear.scatter [tilespmem:s0], [sflag:$0x1], $0x80, $0x38;
	[tilespmem:$0x4900] =	vst v63  }
0x1d3: {  	s29 =	sadd.s32 $0x1900, s1;
	s3 =	sadd.s32 $0x1D00, s1;
	s9 =	sadd.s32 $0x2100, s1  }
0x1d4: {  	[hbm4b:s30+s4] =	stream.linear.scatter [tilespmem:s29], [sflag:$0x1], $0x80, $0x38;
	[tilespmem:$0x4900] =	vst v63  }
0x1d5: {  	s11 =	sadd.s32 $0x2500, s1;
	s22 =	sadd.s32 $0x350, s13;
	s0 =	sshll.u32 s31, $0x7  }
0x1d6: {  	[hbm4b:s5+s4] =	stream.linear.scatter [tilespmem:s3], [sflag:$0x1], $0x80, $0x38;
	[tilespmem:$0x4900] =	vst v63  }
0x1d7: {  	s24 =	spop (v2sf);
	s0 =	sand.u32 $0x380, s0;
	s3 =	sand.u32 $0xFFFFF000, s8  }
0x1d8: {  	[hbm4b:s7+s4] =	stream.linear.scatter [tilespmem:s9], [sflag:$0x1], $0x80, $0x38;
	[tilespmem:$0x4900] =	vst v63  }
0x1d9: {  	s1 =	sand.u32 $0xFFFFF000, s17;
	s26 =	sshll.u32 s24, $0x9;
	s10 =	sor.u32 s0, s3  }
0x1da: {  	[hbm4b:s12+s4] =	stream.linear.scatter [tilespmem:s11], [sflag:$0x1], $0x80, $0x38;
	[tilespmem:$0x4900] =	vst v63  }
0x1db: {  	s25 =	sadd.s32 $0x260, s13;
	s31 =	sand.u32 $0xFFFFF000, s26;
	s15 =	sadd.s32 $0x1900, s10  }
0x1dc: {  	[hbm4b:s16+s4] =	stream.linear.scatter [tilespmem:s15], [sflag:$0x1], $0x80, $0x38;
	[tilespmem:$0x4900] =	vst v63  }
0x1dd: {  	s30 =	sadd.s32 $0x2E0, s13;
	s0 =	sshll.u32 s14, $0x7;
	s18 =	sadd.s32 $0x1D00, s10  }
0x1de: {  	[hbm4b:s19+s4] =	stream.linear.scatter [tilespmem:s18], [sflag:$0x1], $0x80, $0x38;
	[tilespmem:$0x4900] =	vst v63  }
0x1df: {  	s14 =	simm.s32 $0x400;
	s21 =	sadd.s32 $0x2100, s10;
	s0 =	sand.u32 $0x380, s0  }
0x1e0: {  	[hbm4b:s22+s4] =	stream.linear.scatter [tilespmem:s21], [sflag:$0x1], $0x80, $0x38;
	[tilespmem:$0x4900] =	vst v63  }
0x1e1: {  	s2 =	sadd.s32 $0x2500, s10;
	s0 =	sor.u32 s0, s1;
	s1 =	sshll.u32 s24, $0x7  }
0x1e2: {  	[hbm4b:s23+s4] =	stream.linear.scatter [tilespmem:s2], [sflag:$0x1], $0x80, $0x38;
	[tilespmem:$0x4900] =	vst v63  }
0x1e3: {  	s28 =	sadd.s32 $0x1900, s0;
	s29 =	sadd.s32 $0x1D00, s0;
	s1 =	sand.u32 $0x380, s1  }
0x1e4: {  	[hbm4b:s25+s4] =	stream.linear.scatter [tilespmem:s28], [sflag:$0x1], $0x80, $0x38;
	[tilespmem:$0x4900] =	vst v63  }
0x1e5: {  	s3 =	sadd.s32 $0x2100, s0;
	s1 =	sor.u32 s1, s31;
	s15 =	sadd.s32 $0x360, s13  }
0x1e6: {  	[hbm4b:s30+s4] =	stream.linear.scatter [tilespmem:s29], [sflag:$0x1], $0x80, $0x38;
	[tilespmem:$0x4900] =	vst v63  }
.LBB2_4:
0x1e7: {  	[hbm4b:s15+s4] =	stream.linear.scatter [tilespmem:s3], [sflag:$0x1], $0x80, $0x38;
	[tilespmem:$0x4900] =	vst v63  }
0x1e8: {  	s0 =	sadd.s32 $0x2500, s0;
	s31 =	sadd.s32 $0x3E0, s13  }
0x1e9: {  	[hbm4b:s31+s4] =	stream.linear.scatter [tilespmem:s0], [sflag:$0x1], $0x80, $0x38;
	[tilespmem:$0x4900] =	vst v63  }
0x1ea: {  	s5 =	sadd.s32 $0x1900, s1;
	s7 =	sadd.s32 $0x270, s13  }
0x1eb: {  	[hbm4b:s7+s4] =	stream.linear.scatter [tilespmem:s5], [sflag:$0x1], $0x80, $0x38;
	[tilespmem:$0x4900] =	vst v63  }
0x1ec: {  	s8 =	sadd.s32 $0x1D00, s1;
	s9 =	sadd.s32 $0x2F0, s13  }
0x1ed: {  	[hbm4b:s9+s4] =	stream.linear.scatter [tilespmem:s8], [sflag:$0x1], $0x80, $0x38;
	[tilespmem:$0x4900] =	vst v63  }
0x1ee: {  	s10 =	sadd.s32 $0x2100, s1;
	s11 =	sadd.s32 $0x370, s13  }
0x1ef: {  	[hbm4b:s11+s4] =	stream.linear.scatter [tilespmem:s10], [sflag:$0x1], $0x80, $0x38;
	[tilespmem:$0x4900] =	vst v63  }
0x1f0: {  	s12 =	sadd.s32 $0x2500, s1;
	s13 =	sadd.s32 $0x3F0, s13  }
0x1f1: {  	[hbm4b:s13+s4] =	stream.linear.scatter [tilespmem:s12], [sflag:$0x1], $0x80, $0x38;
	[tilespmem:$0x4900] =	vst v63  }
0x1f2: {  	_ =	swait.ge [sflag:s6], $0x2000  }
0x1f3: {  	[sflag:s6] =	ssyncset.done $0x0  }
0x1f4: {  	s20 =	sadd.s32 $0x10, s20;
	[sflag:s6] =	ssyncadd.s32 $0xFFFFE000  }
0x1f5: {  	v0 =	vld [tilespmem:s20+$0x0];
	_ =	sdelay $0x4  }
0x1f6: {  	(v2sf) =	vpush v0, $0x1  }
0x1f7: {  	(v2sf) =	vpush v0, $0x0;
	_ =	sdelay $0x2  }
0x1f8: {  	s2 =	smov.u32 s14;
	s15 =	rddreg [dreg:$0x13];
	(v2sf) =	vpush v0, $0x2  }
0x1f9: {  	p0 =	sne.s32 s14, $0x62C00;
	s14 =	sadd.s32 $0x400, s14;
	s13 =	sadd.s32 s2, s15  }
0x1fa: {  	s23 =	sadd.s32 $0x170, s13;
	s21 =	sadd.s32 $0x280, s13;
	s0 =	sadd.s32 $0x2B0, s13  }
0x1fb: {  	s1 =	sadd.s32 $0x40, s13;
	s25 =	sadd.s32 $0xE0, s13;
	s24 =	sadd.s32 $0x160, s13  }
0x1fc: {  	s6 =	sadd.s32 $0x120, s13;
	s3 =	sadd.s32 $0xC0, s13;
	s29 =	sadd.s32 $0xD0, s13  }
0x1fd: {  	s28 =	sadd.s32 $0x60, s13;
	s22 =	sadd.s32 $0x300, s13;
	s2 =	sadd.s32 $0x80, s13  }
0x1fe: {  	s31 =	sadd.s32 $0x50, s13;
	s5 =	sadd.s32 $0x290, s13;
	s30 =	sadd.s32 $0x150, s13  }
0x1ff: {  	s15 =	sadd.s32 $0x360, s13;
	s9 =	sadd.s32 $0x1B0, s13;
	s7 =	sadd.s32 $0x3D0, s13  }
0x200: {  	s16 =	sadd.s32 $0x260, s13;
	s11 =	sadd.s32 $0x190, s13;
	[dreg:$0x18] =	wrdreg s0  }
0x201: {  	s8 =	sadd.s32 $0x1A0, s13;
	s17 =	sadd.s32 $0x320, s13;
	[dreg:$0x1c] =	wrdreg s5;
	(v2sf) =	vpush v0, $0x3  }
0x202: {  	s26 =	sadd.s32 $0xF0, s13;
	s0 =	sadd.s32 $0x140, s13;
	[dreg:$0x15] =	wrdreg s7  }
0x203: {  	s5 =	sadd.s32 $0xB0, s13;
	[dreg:$0x14] =	wrdreg s16;
	s10 =	spop (v2sf)  }
0x204: {  	[dreg:$0x1b] =	wrdreg s17;
	s12 =	sshll.u32 s10, $0x9;
	s16 =	spop (v2sf)  }
0x205: {  	s10 =	sshll.u32 s10, $0x7;
	s17 =	sshll.u32 s16, $0x9;
	s16 =	sshll.u32 s16, $0x7  }
0x206: {  	s12 =	sand.u32 $0xFFFFF000, s12;
	s17 =	sand.u32 $0xFFFFF000, s17;
	s16 =	sand.u32 $0x380, s16  }
0x207: {  	s18 =	spop (v2sf);
	s10 =	sand.u32 $0x380, s10;
	s16 =	sor.u32 s16, s17  }
0x208: {  	(v2sf) =	vpush v0, $0x4;
	s10 =	sor.u32 s10, s12;
	s17 =	sshll.u32 s18, $0x9;
	s19 =	sadd.s32 $0x1900, s16  }
0x209: {  	[hbm4b:s13+s4] =	stream.linear.scatter [tilespmem:s19], [sflag:$0x1], $0x80, $0x38;
	[tilespmem:$0x4900] =	vst v63  }
0x20a: {  	s18 =	sshll.u32 s18, $0x7;
	s17 =	sand.u32 $0xFFFFF000, s17;
	s19 =	sadd.s32 $0x1D00, s16  }
0x20b: {  	[hbm4b:s2+s4] =	stream.linear.scatter [tilespmem:s19], [sflag:$0x1], $0x80, $0x38;
	[tilespmem:$0x4900] =	vst v63  }
0x20c: {  	s12 =	sand.u32 $0x380, s18;
	s18 =	sadd.s32 $0x2100, s16;
	s19 =	sadd.s32 $0x100, s13  }
0x20d: {  	[hbm4b:s19+s4] =	stream.linear.scatter [tilespmem:s18], [sflag:$0x1], $0x80, $0x38;
	[tilespmem:$0x4900] =	vst v63  }
0x20e: {  	s12 =	sor.u32 s12, s17;
	s18 =	sadd.s32 $0x2500, s16;
	s19 =	sadd.s32 $0x180, s13  }
0x20f: {  	[hbm4b:s19+s4] =	stream.linear.scatter [tilespmem:s18], [sflag:$0x1], $0x80, $0x38;
	[tilespmem:$0x4900] =	vst v63  }
0x210: {  	s17 =	spop (v2sf);
	(v2sf) =	vpush v0, $0x5;
	s16 =	sadd.s32 $0x1900, s10;
	s19 =	sadd.s32 $0x10, s13  }
0x211: {  	[hbm4b:s19+s4] =	stream.linear.scatter [tilespmem:s16], [sflag:$0x1], $0x80, $0x38;
	[tilespmem:$0x4900] =	vst v63  }
0x212: {  	s7 =	sadd.s32 $0x130, s13;
	s16 =	sadd.s32 $0x1D00, s10;
	s19 =	sadd.s32 $0x90, s13  }
0x213: {  	[hbm4b:s19+s4] =	stream.linear.scatter [tilespmem:s16], [sflag:$0x1], $0x80, $0x38;
	[tilespmem:$0x4900] =	vst v63  }
0x214: {  	s18 =	sshll.u32 s17, $0x9;
	s16 =	sadd.s32 $0x2100, s10;
	s19 =	sadd.s32 $0x110, s13  }
0x215: {  	[hbm4b:s19+s4] =	stream.linear.scatter [tilespmem:s16], [sflag:$0x1], $0x80, $0x38;
	[tilespmem:$0x4900] =	vst v63  }
0x216: {  	s17 =	sshll.u32 s17, $0x7;
	s18 =	sand.u32 $0xFFFFF000, s18;
	s19 =	sadd.s32 $0x2500, s10  }
0x217: {  	s10 =	sand.u32 $0x380, s17;
	s16 =	spop (v2sf);
	(v2sf) =	vpush v0, $0x6;
	s17 =	sadd.s32 $0x1900, s12  }
0x218: {  	[hbm4b:s11+s4] =	stream.linear.scatter [tilespmem:s19], [sflag:$0x1], $0x80, $0x38;
	[tilespmem:$0x4900] =	vst v63  }
0x219: {  	s10 =	sor.u32 s10, s18;
	s18 =	sshll.u32 s16, $0x9;
	s19 =	sadd.s32 $0x20, s13  }
0x21a: {  	[hbm4b:s19+s4] =	stream.linear.scatter [tilespmem:s17], [sflag:$0x1], $0x80, $0x38;
	[tilespmem:$0x4900] =	vst v63  }
0x21b: {  	s16 =	sshll.u32 s16, $0x7;
	(v2sf) =	vpush v0, $0x7;
	s11 =	sadd.s32 $0x1D00, s12;
	s17 =	sadd.s32 $0xA0, s13  }
0x21c: {  	[hbm4b:s17+s4] =	stream.linear.scatter [tilespmem:s11], [sflag:$0x1], $0x80, $0x38;
	[tilespmem:$0x4900] =	vst v63  }
0x21d: {  	s19 =	sadd.s32 $0x2100, s12;
	s11 =	sand.u32 $0xFFFFF000, s18;
	s17 =	sadd.s32 $0x2500, s12  }
0x21e: {  	[hbm4b:s6+s4] =	stream.linear.scatter [tilespmem:s19], [sflag:$0x1], $0x80, $0x38;
	[tilespmem:$0x4900] =	vst v63  }
0x21f: {  	s18 =	sand.u32 $0x380, s16;
	s16 =	sadd.s32 $0x30, s13;
	s19 =	spop (v2sf)  }
0x220: {  	s12 =	sadd.s32 $0x2100, s10;
	s6 =	sor.u32 s18, s11;
	s18 =	sshll.u32 s19, $0x9  }
0x221: {  	[hbm4b:s8+s4] =	stream.linear.scatter [tilespmem:s17], [sflag:$0x1], $0x80, $0x38;
	[tilespmem:$0x4900] =	vst v63  }
0x222: {  	s19 =	sshll.u32 s19, $0x7;
	s8 =	sadd.s32 $0x1900, s10;
	s17 =	sadd.s32 $0x1D00, s10  }
0x223: {  	(v2sf) =	vpush v0, $0x8;
	[hbm4b:s16+s4] =	stream.linear.scatter [tilespmem:s8], [sflag:$0x1], $0x80, $0x38;
	[tilespmem:$0x4900] =	vst v63  }
0x224: {  	s16 =	sand.u32 $0xFFFFF000, s18;
	s18 =	sadd.s32 $0x2500, s10;
	s8 =	sadd.s32 $0x1900, s6  }
0x225: {  	[hbm4b:s5+s4] =	stream.linear.scatter [tilespmem:s17], [sflag:$0x1], $0x80, $0x38;
	[tilespmem:$0x4900] =	vst v63  }
0x226: {  	s10 =	sadd.s32 $0x1D00, s6;
	s17 =	sand.u32 $0x380, s19;
	s19 =	spop (v2sf)  }
0x227: {  	[hbm4b:s7+s4] =	stream.linear.scatter [tilespmem:s12], [sflag:$0x1], $0x80, $0x38;
	[tilespmem:$0x4900] =	vst v63  }
0x228: {  	s5 =	sor.u32 s17, s16;
	s17 =	sadd.s32 $0x2500, s6;
	s7 =	sshll.u32 s19, $0x7  }
0x229: {  	[hbm4b:s9+s4] =	stream.linear.scatter [tilespmem:s18], [sflag:$0x1], $0x80, $0x38;
	[tilespmem:$0x4900] =	vst v63  }
0x22a: {  	s12 =	sadd.s32 $0x2100, s6;
	s16 =	spop (v2sf);
	s7 =	sand.u32 $0x380, s7  }
0x22b: {  	[hbm4b:s1+s4] =	stream.linear.scatter [tilespmem:s8], [sflag:$0x1], $0x80, $0x38;
	[tilespmem:$0x4900] =	vst v63  }
0x22c: {  	s9 =	sshll.u32 s19, $0x9;
	s18 =	sadd.s32 $0x1C0, s13;
	s19 =	sshll.u32 s16, $0x9  }
0x22d: {  	(v2sf) =	vpush v0, $0x9;
	[hbm4b:s3+s4] =	stream.linear.scatter [tilespmem:s10], [sflag:$0x1], $0x80, $0x38;
	[tilespmem:$0x4900] =	vst v63  }
0x22e: {  	s11 =	sand.u32 $0xFFFFF000, s9;
	s6 =	sand.u32 $0xFFFFF000, s19;
	s9 =	sadd.s32 $0x2100, s5  }
0x22f: {  	[hbm4b:s0+s4] =	stream.linear.scatter [tilespmem:s12], [sflag:$0x1], $0x80, $0x38;
	[tilespmem:$0x4900] =	vst v63  }
0x230: {  	s2 =	sor.u32 s7, s11;
	s1 =	sadd.s32 $0x1900, s5;
	s7 =	sadd.s32 $0x1D00, s5  }
0x231: {  	[hbm4b:s18+s4] =	stream.linear.scatter [tilespmem:s17], [sflag:$0x1], $0x80, $0x38;
	[tilespmem:$0x4900] =	vst v63  }
0x232: {  	s11 =	sadd.s32 $0x2500, s5;
	s3 =	sshll.u32 s16, $0x7;
	s8 =	spop (v2sf)  }
0x233: {  	[hbm4b:s31+s4] =	stream.linear.scatter [tilespmem:s1], [sflag:$0x1], $0x80, $0x38;
	[tilespmem:$0x4900] =	vst v63  }
0x234: {  	s16 =	sadd.s32 $0x1900, s2;
	s3 =	sand.u32 $0x380, s3;
	s10 =	sshll.u32 s8, $0x9  }
0x235: {  	[hbm4b:s29+s4] =	stream.linear.scatter [tilespmem:s7], [sflag:$0x1], $0x80, $0x38;
	[tilespmem:$0x4900] =	vst v63  }
0x236: {  	s12 =	sadd.s32 $0x1D0, s13;
	s1 =	sor.u32 s3, s6;
	s6 =	sshll.u32 s8, $0x7  }
0x237: {  	(v2sf) =	vpush v0, $0xA;
	[hbm4b:s30+s4] =	stream.linear.scatter [tilespmem:s9], [sflag:$0x1], $0x80, $0x38;
	[tilespmem:$0x4900] =	vst v63  }
0x238: {  	s18 =	sadd.s32 $0x1D00, s2;
	s3 =	sand.u32 $0xFFFFF000, s10;
	s17 =	sand.u32 $0x380, s6  }
0x239: {  	[hbm4b:s12+s4] =	stream.linear.scatter [tilespmem:s11], [sflag:$0x1], $0x80, $0x38;
	[tilespmem:$0x4900] =	vst v63  }
0x23a: {  	s31 =	sadd.s32 $0x1E0, s13;
	s8 =	sadd.s32 $0x1D00, s1;
	s3 =	sor.u32 s17, s3  }
0x23b: {  	[hbm4b:s28+s4] =	stream.linear.scatter [tilespmem:s16], [sflag:$0x1], $0x80, $0x38;
	[tilespmem:$0x4900] =	vst v63  }
0x23c: {  	s19 =	spop (v2sf);
	s7 =	sadd.s32 $0x70, s13;
	s17 =	sadd.s32 $0x380, s13  }
0x23d: {  	(v2sf) =	vpush v0, $0xB;
	[hbm4b:s25+s4] =	stream.linear.scatter [tilespmem:s18], [sflag:$0x1], $0x80, $0x38;
	[tilespmem:$0x4900] =	vst v63  }
0x23e: {  	s29 =	sshll.u32 s19, $0x9;
	s5 =	sshll.u32 s19, $0x7;
	s28 =	sadd.s32 $0x2100, s2  }
0x23f: {  	[hbm4b:s24+s4] =	stream.linear.scatter [tilespmem:s28], [sflag:$0x1], $0x80, $0x38;
	[tilespmem:$0x4900] =	vst v63  }
0x240: {  	s19 =	sadd.s32 $0x210, s13;
	s30 =	sadd.s32 $0x2500, s2;
	s6 =	sand.u32 $0xFFFFF000, s29  }
0x241: {  	[hbm4b:s31+s4] =	stream.linear.scatter [tilespmem:s30], [sflag:$0x1], $0x80, $0x38;
	[tilespmem:$0x4900] =	vst v63  }
0x242: {  	s5 =	sand.u32 $0x380, s5;
	s29 =	sadd.s32 $0x1F0, s13;
	s2 =	sadd.s32 $0x1900, s1  }
0x243: {  	[hbm4b:s7+s4] =	stream.linear.scatter [tilespmem:s2], [sflag:$0x1], $0x80, $0x38;
	[tilespmem:$0x4900] =	vst v63  }
0x244: {  	s9 =	sor.u32 s5, s6;
	s11 =	sadd.s32 $0x2100, s3;
	s16 =	sadd.s32 $0x2500, s3  }
0x245: {  	[hbm4b:s26+s4] =	stream.linear.scatter [tilespmem:s8], [sflag:$0x1], $0x80, $0x38;
	[tilespmem:$0x4900] =	vst v63  }
0x246: {  	s25 =	sadd.s32 $0x2100, s1;
	s18 =	sadd.s32 $0x1900, s9;
	s24 =	spop (v2sf)  }
0x247: {  	[hbm4b:s23+s4] =	stream.linear.scatter [tilespmem:s25], [sflag:$0x1], $0x80, $0x38;
	[tilespmem:$0x4900] =	vst v63  }
0x248: {  	s28 =	sadd.s32 $0x2500, s1;
	s1 =	sadd.s32 $0x1D00, s3;
	s5 =	sshll.u32 s24, $0x7  }
0x249: {  	[hbm4b:s29+s4] =	stream.linear.scatter [tilespmem:s28], [sflag:$0x1], $0x80, $0x38;
	[tilespmem:$0x4900] =	vst v63  }
0x24a: {  	s30 =	sadd.s32 $0x1900, s3;
	s31 =	sadd.s32 $0x200, s13;
	s5 =	sand.u32 $0x380, s5  }
0x24b: {  	(v2sf) =	vpush v0, $0xC;
	[hbm4b:s31+s4] =	stream.linear.scatter [tilespmem:s30], [sflag:$0x1], $0x80, $0x38;
	[tilespmem:$0x4900] =	vst v63  }
0x24c: {  	s2 =	sadd.s32 $0x340, s13;
	s10 =	spop (v2sf);
	s26 =	sshll.u32 s24, $0x9  }
0x24d: {  	[hbm4b:s21+s4] =	stream.linear.scatter [tilespmem:s1], [sflag:$0x1], $0x80, $0x38;
	[tilespmem:$0x4900] =	vst v63  }
0x24e: {  	s12 =	sshll.u32 s10, $0x9;
	s24 =	sadd.s32 $0x2100, s9;
	s6 =	sand.u32 $0xFFFFF000, s26  }
0x24f: {  	[hbm4b:s22+s4] =	stream.linear.scatter [tilespmem:s11], [sflag:$0x1], $0x80, $0x38;
	[tilespmem:$0x4900] =	vst v63  }
0x250: {  	s8 =	sadd.s32 $0x2A0, s13;
	s7 =	sor.u32 s5, s6;
	s5 =	sshll.u32 s10, $0x7  }
0x251: {  	(v2sf) =	vpush v0, $0xD;
	[hbm4b:s17+s4] =	stream.linear.scatter [tilespmem:s16], [sflag:$0x1], $0x80, $0x38;
	[tilespmem:$0x4900] =	vst v63  }
0x252: {  	s6 =	sand.u32 $0xFFFFF000, s12;
	s23 =	rddreg [dreg:$0x1c];
	s25 =	sadd.s32 $0x310, s13  }
0x253: {  	[hbm4b:s19+s4] =	stream.linear.scatter [tilespmem:s18], [sflag:$0x1], $0x80, $0x38;
	[tilespmem:$0x4900] =	vst v63  }
0x254: {  	s10 =	sadd.s32 $0x330, s13;
	s5 =	sand.u32 $0x380, s5;
	s21 =	sadd.s32 $0x1D00, s9  }
0x255: {  	[hbm4b:s23+s4] =	stream.linear.scatter [tilespmem:s21], [sflag:$0x1], $0x80, $0x38;
	[tilespmem:$0x4900] =	vst v63  }
0x256: {  	s12 =	rddreg [dreg:$0x1b];
	s3 =	sor.u32 s5, s6;
	s28 =	sadd.s32 $0x2500, s9  }
0x257: {  	[hbm4b:s25+s4] =	stream.linear.scatter [tilespmem:s24], [sflag:$0x1], $0x80, $0x38;
	[tilespmem:$0x4900] =	vst v63  }
0x258: {  	s29 =	sadd.s32 $0x390, s13;
	s6 =	sadd.s32 $0x1D00, s7;
	s30 =	sadd.s32 $0x1900, s7  }
0x259: {  	[hbm4b:s29+s4] =	stream.linear.scatter [tilespmem:s28], [sflag:$0x1], $0x80, $0x38;
	[tilespmem:$0x4900] =	vst v63  }
0x25a: {  	s31 =	sadd.s32 $0x220, s13;
	s9 =	sadd.s32 $0x2100, s7;
	s22 =	spop (v2sf)  }
0x25b: {  	[hbm4b:s31+s4] =	stream.linear.scatter [tilespmem:s30], [sflag:$0x1], $0x80, $0x38;
	[tilespmem:$0x4900] =	vst v63  }
0x25c: {  	s1 =	sadd.s32 $0x2500, s7;
	s26 =	sshll.u32 s22, $0x9;
	s5 =	sshll.u32 s22, $0x7  }
0x25d: {  	(v2sf) =	vpush v0, $0xE;
	[hbm4b:s8+s4] =	stream.linear.scatter [tilespmem:s6], [sflag:$0x1], $0x80, $0x38;
	[tilespmem:$0x4900] =	vst v63  }
0x25e: {  	s22 =	sadd.s32 $0x1D00, s3;
	s5 =	sand.u32 $0x380, s5;
	s16 =	sadd.s32 $0x3A0, s13  }
0x25f: {  	[hbm4b:s12+s4] =	stream.linear.scatter [tilespmem:s9], [sflag:$0x1], $0x80, $0x38;
	[tilespmem:$0x4900] =	vst v63  }
0x260: {  	s17 =	sadd.s32 $0x230, s13;
	s11 =	spop (v2sf);
	s19 =	sand.u32 $0xFFFFF000, s26  }
0x261: {  	[hbm4b:s16+s4] =	stream.linear.scatter [tilespmem:s1], [sflag:$0x1], $0x80, $0x38;
	[tilespmem:$0x4900] =	vst v63  }
0x262: {  	s18 =	sadd.s32 $0x1900, s3;
	s26 =	sadd.s32 $0x2500, s3;
	s5 =	sor.u32 s5, s19  }
0x263: {  	(v2sf) =	vpush v0, $0xF;
	[hbm4b:s17+s4] =	stream.linear.scatter [tilespmem:s18], [sflag:$0x1], $0x80, $0x38;
	[tilespmem:$0x4900] =	vst v63  }
0x264: {  	s19 =	sadd.s32 $0x2D0, s13;
	s21 =	sshll.u32 s11, $0x9;
	s24 =	rddreg [dreg:$0x18]  }
0x265: {  	[hbm4b:s24+s4] =	stream.linear.scatter [tilespmem:s22], [sflag:$0x1], $0x80, $0x38;
	[tilespmem:$0x4900] =	vst v63  }
0x266: {  	s23 =	sshll.u32 s11, $0x7;
	s11 =	sadd.s32 $0x2500, s5;
	s25 =	sadd.s32 $0x2100, s3  }
0x267: {  	[hbm4b:s10+s4] =	stream.linear.scatter [tilespmem:s25], [sflag:$0x1], $0x80, $0x38;
	[tilespmem:$0x4900] =	vst v63  }
0x268: {  	s7 =	sand.u32 $0xFFFFF000, s21;
	s28 =	sadd.s32 $0x3B0, s13;
	s6 =	sand.u32 $0x380, s23  }
0x269: {  	[hbm4b:s28+s4] =	stream.linear.scatter [tilespmem:s26], [sflag:$0x1], $0x80, $0x38;
	[tilespmem:$0x4900] =	vst v63  }
0x26a: {  	s29 =	sadd.s32 $0x1900, s5;
	s30 =	sadd.s32 $0x240, s13;
	s6 =	sor.u32 s6, s7  }
0x26b: {  	[hbm4b:s30+s4] =	stream.linear.scatter [tilespmem:s29], [sflag:$0x1], $0x80, $0x38;
	[tilespmem:$0x4900] =	vst v63  }
0x26c: {  	s31 =	spop (v2sf);
	s7 =	sadd.s32 $0x2C0, s13;
	s1 =	sadd.s32 $0x1D00, s5  }
0x26d: {  	[hbm4b:s7+s4] =	stream.linear.scatter [tilespmem:s1], [sflag:$0x1], $0x80, $0x38;
	[tilespmem:$0x4900] =	vst v63  }
0x26e: {  	s8 =	sshll.u32 s31, $0x9;
	s9 =	sadd.s32 $0x2100, s5;
	s3 =	sshll.u32 s31, $0x7  }
0x26f: {  	[hbm4b:s2+s4] =	stream.linear.scatter [tilespmem:s9], [sflag:$0x1], $0x80, $0x38;
	[tilespmem:$0x4900] =	vst v63  }
0x270: {  	s12 =	sadd.s32 $0x3C0, s13;
	s21 =	sadd.s32 $0x2100, s6;
	s31 =	sadd.s32 $0x2E0, s13  }
0x271: {  	[hbm4b:s12+s4] =	stream.linear.scatter [tilespmem:s11], [sflag:$0x1], $0x80, $0x38;
	[tilespmem:$0x4900] =	vst v63  }
0x272: {  	s16 =	sadd.s32 $0x1900, s6;
	s23 =	spop (v2sf);
	s17 =	sadd.s32 $0x250, s13  }
0x273: {  	[hbm4b:s17+s4] =	stream.linear.scatter [tilespmem:s16], [sflag:$0x1], $0x80, $0x38;
	[tilespmem:$0x4900] =	vst v63  }
0x274: {  	s3 =	sand.u32 $0x380, s3;
	s18 =	sadd.s32 $0x1D00, s6;
	s5 =	sshll.u32 s23, $0x7  }
0x275: {  	[hbm4b:s19+s4] =	stream.linear.scatter [tilespmem:s18], [sflag:$0x1], $0x80, $0x38;
	[tilespmem:$0x4900] =	vst v63  }
0x276: {  	s5 =	sand.u32 $0x380, s5;
	s22 =	sadd.s32 $0x350, s13;
	s24 =	sadd.s32 $0x2500, s6  }
0x277: {  	[hbm4b:s22+s4] =	stream.linear.scatter [tilespmem:s21], [sflag:$0x1], $0x80, $0x38;
	[tilespmem:$0x4900] =	vst v63  }
0x278: {  	s6 =	simm.s32 $0x1;
	s10 =	sand.u32 $0xFFFFF000, s8;
	s26 =	rddreg [dreg:$0x15]  }
0x279: {  	[hbm4b:s26+s4] =	stream.linear.scatter [tilespmem:s24], [sflag:$0x1], $0x80, $0x38;
	[tilespmem:$0x4900] =	vst v63  }
.Ltmp1:
0x27a: {  	s25 =	sshll.u32 s23, $0x9;
	s0 =	sor.u32 s3, s10;
	(pc) =	sbr.rel @p0 .LBB2_4-.Ltmp1, $4  }
0x27b: {  	s28 =	sadd.s32 $0x1900, s0;
	s29 =	rddreg [dreg:$0x14];
	s2 =	sand.u32 $0xFFFFF000, s25  }
0x27c: {  	[hbm4b:s29+s4] =	stream.linear.scatter [tilespmem:s28], [sflag:$0x1], $0x80, $0x38;
	[tilespmem:$0x4900] =	vst v63  }
0x27d: {  	s3 =	sadd.s32 $0x2100, s0;
	s30 =	sadd.s32 $0x1D00, s0;
	s1 =	sor.u32 s5, s2  }
0x27e: {  	[hbm4b:s31+s4] =	stream.linear.scatter [tilespmem:s30], [sflag:$0x1], $0x80, $0x38;
	[tilespmem:$0x4900] =	vst v63  }
0x27f: {  	[hbm4b:s15+s4] =	stream.linear.scatter [tilespmem:s3], [sflag:$0x1], $0x80, $0x38;
	[tilespmem:$0x4900] =	vst v63  }
0x280: {  	s0 =	sadd.s32 $0x2500, s0;
	s2 =	sadd.s32 $0x3E0, s13  }
0x281: {  	[hbm4b:s2+s4] =	stream.linear.scatter [tilespmem:s0], [sflag:$0x1], $0x80, $0x38;
	[tilespmem:$0x4900] =	vst v63  }
0x282: {  	s21 =	sadd.s32 $0x1900, s1;
	s22 =	sadd.s32 $0x270, s13  }
0x283: {  	[hbm4b:s22+s4] =	stream.linear.scatter [tilespmem:s21], [sflag:$0x1], $0x80, $0x38;
	[tilespmem:$0x4900] =	vst v63  }
0x284: {  	s23 =	sadd.s32 $0x1D00, s1;
	s24 =	sadd.s32 $0x2F0, s13  }
0x285: {  	[hbm4b:s24+s4] =	stream.linear.scatter [tilespmem:s23], [sflag:$0x1], $0x80, $0x38;
	[tilespmem:$0x4900] =	vst v63  }
0x286: {  	s25 =	sadd.s32 $0x2100, s1;
	s26 =	sadd.s32 $0x370, s13  }
0x287: {  	[hbm4b:s26+s4] =	stream.linear.scatter [tilespmem:s25], [sflag:$0x1], $0x80, $0x38;
	[tilespmem:$0x4900] =	vst v63  }
0x288: {  	s28 =	sadd.s32 $0x2500, s1;
	s29 =	sadd.s32 $0x3F0, s13  }
0x289: {  	[hbm4b:s29+s4] =	stream.linear.scatter [tilespmem:s28], [sflag:$0x1], $0x80, $0x38;
	[tilespmem:$0x4900] =	vst v63  }
0x28a: {  	_ =	swait.ge [sflag:s6], $0x2000  }
0x28b: {  	[sflag:s6] =	ssyncset.done $0x0  }
0x28c: {  	[sflag:s6] =	ssyncadd.s32 $0xFFFFE000  }
0x28d: {  	_ =	swait.ge [sflag:s6], $0x2000  }
0x28e: {  	[sflag:s6] =	ssyncset.done $0x0  }
0x28f: {  	[sflag:s6] =	ssyncadd.s32 $0xFFFFE000  }
0x290: {  	_ =	swait.ge [sflag:s6], $0x2000  }
0x291: {  	[sflag:s6] =	ssyncset.done $0x0  }
0x292: {  	[sflag:s6] =	ssyncadd.s32 $0xFFFFE000  }
0x293: {  	_ =	swait.ge [sflag:s6], $0x2000  }
0x294: {  	s30 =	sld [smem:$0x7FD];
	_ =	sdelay $0x2  }
0x295: {  	s31 =	rddreg [dreg:$0x1e];
	s1 =	sadd.s32 $0x1, s30  }
0x296: {  	p0 =	sne.s32 s1, s31  }
.Ltmp2:
0x297: {  	_ = 	snop;
	(pc) =	sbr.rel @p0 .LBB2_1-.Ltmp2, $4  }
0x298: {  	_ = 	snop  }
0x299: {  	[sflag:s6] =	ssyncset.done $0x0  }
0x29a: {  	[sflag:s6] =	ssyncadd.s32 $0xFFFFE000  }
0x29b: {  	s2 =	rddreg [dreg:$0x2]  }
0x29c: {  	_ =	sfence.sel $0x180000  }
0x29d: {  	[bflag:$0x0] =	sbarrier.arrive $0xFFFF  }
0x29e: {  	_ =	strace $0x90000047  }
0x29f: {  	s0 =	stileid.u32;
	[bflag:$0x2] =	sbarrier.arrive $0xFFFF  }
0x2a0: {  	p0 =	sne.s32 s0, $0x0;
	s0 =	rddreg [dreg:$0x3]  }
0x2a1: {  	s0 =	sadd.s32 @!p0 $0x100000, s0  }
0x2a2: {  	[sflag:s0] =	ssyncadd.tile.s32 @!p0 $0x1;
	_ =	shalt  }
.Lfunc_end2:
_tile_overlayer_lowered:
.L_overlay_start_2:
0x2a3: {  	(tag) =	ssettag $0x2  }
0x2a4: {  	s0 =	rddreg [dreg:$0x0];
	s2 =	stileid.u32  }
0x2a5: {  	s1 =	rddreg [dreg:$0x1];
	p0 =	sne.s32 s2, $0x0  }
0x2a6: {  	s3 =	rddreg [dreg:$0x2];
	[bflag:$0x3] =	sbarrier.arrive $0xFFFF;
	s2 =	simm.s32 @!p0 $0x1C02  }
0x2a7: {  	[timem:s3], [sflag:s2] =	dma.local @!p0 [hbm:s0], s1  }
0x2a8: {  	s0 =	simm.s32 @!p0 $0x2  }
0x2a9: {  	_ =	swait.ge @!p0 [sflag:s0], s1  }
0x2aa: {  	s1 =	ssub.s32 @!p0 $0x0, s1;
	[sflag:s0] =	ssyncset.done @!p0 $0x0  }
0x2ab: {  	[sflag:s0] =	ssyncadd.s32 @!p0 s1  }
0x2ac: {  	[bflag:$0x3] =	sbarrier.arrive $0xFFFF  }
0x2ad: {  	_ =	shalt  }

</sc_bundles>
